<compile_context>
chip_gen: v7x
topology: tpu7x:2x2x1
jax: 0.10.2.dev20260603
libtpu: 0.0.44.dev20260713+nightly
codegen_flags: <defaults>
</compile_context>

<pallas_src>
import functools

import jax
import jax.numpy as jnp
from jax import lax
from jax.experimental import pallas as pl
from jax.experimental.pallas import tpu as pltpu
from jax.experimental.pallas import tpu_sc as plsc

INPUT_DIM = 1000
OUTPUT_DIM = 64
ROW = OUTPUT_DIM * OUTPUT_DIM
BATCH = 4096

NUM_CORES = 2
NUM_SUBCORES = 16
NUM_WORKERS = NUM_CORES * NUM_SUBCORES
B_PER_W = BATCH // NUM_WORKERS
CHUNK = 8
NCHUNK = B_PER_W // CHUNK
NBUF = 3


def _build():
  mesh = plsc.VectorSubcoreMesh(core_axis_name="c", subcore_axis_name="s")

  @functools.partial(
      pl.kernel,
      mesh=mesh,
      out_type=jax.ShapeDtypeStruct((BATCH, ROW), jnp.float32),
      scratch_types=(
          [pltpu.VMEM((B_PER_W,), jnp.int32)]
          + [pltpu.VMEM((CHUNK, ROW), jnp.float32)] * NBUF
          + [pltpu.SemaphoreType.DMA] * (2 * NBUF)
      ),
  )
  def gather_kernel(idx_hbm, table_hbm, out_hbm, idx_v, *rest):
    bufs = rest[:NBUF]
    gsems = rest[NBUF:2 * NBUF]
    ssems = rest[2 * NBUF:]
    wid = lax.axis_index("s") * NUM_CORES + lax.axis_index("c")
    base = wid * B_PER_W
    pltpu.sync_copy(idx_hbm.at[pl.ds(base, B_PER_W)], idx_v)

    def gather(g, b):
      return pltpu.async_copy(
          table_hbm.at[idx_v.at[pl.ds(g * CHUNK, CHUNK)]], bufs[b], gsems[b])

    def scatter(g, b):
      return pltpu.async_copy(
          bufs[b], out_hbm.at[pl.ds(base + g * CHUNK, CHUNK)], ssems[b])

    gd = [None] * NCHUNK
    sd = [None] * NCHUNK
    gd[0] = gather(0, 0)
    gd[1] = gather(1, 1)
    for g in range(NCHUNK):
      b = g % NBUF
      gd[g].wait()
      sd[g] = scatter(g, b)
      if g + 2 < NCHUNK:
        if g >= 1:
          sd[g - 1].wait()
        gd[g + 2] = gather(g + 2, (g + 2) % NBUF)
    sd[NCHUNK - 3].wait()
    sd[NCHUNK - 2].wait()
    sd[NCHUNK - 1].wait()

  return gather_kernel


_gather = _build()


def kernel(inputs, embeddings):
  table = embeddings.reshape(INPUT_DIM, ROW)
  out = _gather(inputs, table)
  return out.reshape(BATCH, OUTPUT_DIM, OUTPUT_DIM)

# --- scband reference (transcript-rebuilt; emitter-appended) ---
"""Pipeline reference for scband-embedding2-d-84018150244588 (READ-ONLY COPY).

The authoritative reference and input builder live on the scoring server;
editing this copy changes nothing except your own understanding.
"""

import jax, jax.numpy as jnp
import numpy as np

INPUT_DIM = 1000
OUTPUT_DIM = 64
BATCH = 4096


def setup_inputs(seed: int = 0) -> dict:
    key = jax.random.key(seed)
    k_idx, k_emb = jax.random.split(key)
    # forward arg: integer bond-type ids
    inputs = jax.random.randint(k_idx, (BATCH,), 0, INPUT_DIM, dtype=jnp.int32)
    # learned parameter: (input_dim, output_dim, output_dim) matrix-per-id table
    # keras 'uniform' initializer -> RandomUniform(-0.05, 0.05)
    embeddings = jax.random.uniform(
        k_emb, (INPUT_DIM, OUTPUT_DIM, OUTPUT_DIM),
        minval=-0.05, maxval=0.05, dtype=jnp.float32)
    return {"inputs": inputs, "embeddings": embeddings}


def reference(inputs, embeddings):
    # tf.nn.embedding_lookup(self.embeddings, inputs)
    # gathers a (output_dim, output_dim) matrix for each id
    return jnp.take(embeddings, inputs, axis=0)

if __name__ == "__main__":
    import jax
    _d = setup_inputs()
    print(jax.jit(kernel)(*tuple(_d.values())))

</pallas_src>

<mosaic_0001>
#map = affine_map<(d0, d1) -> (0)>
#map1 = affine_map<(d0, d1) -> (0, 0)>
module attributes {stable_mosaic.version = 14 : i64} {
  func.func @gather_kernel(%arg0: i32, %arg1: i32, %arg2: memref<4096xi32, #tpu.memory_space<hbm>>, %arg3: memref<1000x4096xf32, #tpu.memory_space<hbm>>, %arg4: memref<4096x4096xf32, #tpu.memory_space<hbm>>, %arg5: memref<128xi32, #tpu.memory_space<vmem>>, %arg6: memref<8x4096xf32, #tpu.memory_space<vmem>>, %arg7: memref<8x4096xf32, #tpu.memory_space<vmem>>, %arg8: memref<8x4096xf32, #tpu.memory_space<vmem>>, %arg9: memref<!tpu.dma_semaphore, #tpu.memory_space<semaphore_mem>>, %arg10: memref<!tpu.dma_semaphore, #tpu.memory_space<semaphore_mem>>, %arg11: memref<!tpu.dma_semaphore, #tpu.memory_space<semaphore_mem>>, %arg12: memref<!tpu.dma_semaphore, #tpu.memory_space<semaphore_mem>>, %arg13: memref<!tpu.dma_semaphore, #tpu.memory_space<semaphore_mem>>, %arg14: memref<!tpu.dma_semaphore, #tpu.memory_space<semaphore_mem>>) attributes {dimension_semantics = [#tpu.dimension_semantics<core_parallel>, #tpu.dimension_semantics<subcore_parallel>], iteration_bounds = array<i64: 2, 16>, scalar_prefetch = 0 : i64, scratch_operands = 10 : i64, tpu.core_type = #tpu.core_type<sc_vector_subcore>, window_params = [{transform_indices = #map}, {transform_indices = #map1}, {transform_indices = #map1}]} {
    %mul3A = arith.constant 2 : i32
    %mul3A_0 = arith.muli %arg1, %mul3A : i32
    %add3A = arith.addi %mul3A_0, %arg0 : i32
    %mul3A_1 = arith.constant 128 : i32
    %mul3A_2 = arith.muli %add3A, %mul3A_1 : i32
    "tpu.region"() ({
      %run_scoped3A = tpu.sem_alloc : memref<!tpu.dma_semaphore, #tpu.memory_space<semaphore_mem>>
      %dma_start3A_321 = tpu.memref_slice %arg2[%mul3A_2] : memref<4096xi32, #tpu.memory_space<hbm>> -> memref<128xi32, #tpu.memory_space<hbm>>
      %dma_start3A_322 = tpu.memref_slice %arg2[%mul3A_2] : memref<4096xi32, #tpu.memory_space<hbm>> -> memref<128xi32, #tpu.memory_space<hbm>>
      tpu.enqueue_dma source(%dma_start3A_322 : memref<128xi32, #tpu.memory_space<hbm>>) target(%arg5 : memref<128xi32, #tpu.memory_space<vmem>>) target_semaphore(%run_scoped3A : memref<!tpu.dma_semaphore, #tpu.memory_space<semaphore_mem>>)
      %dma_wait3A_323 = tpu.memref_slice %arg2[%mul3A_2] : memref<4096xi32, #tpu.memory_space<hbm>> -> memref<128xi32, #tpu.memory_space<hbm>>
      %dma_wait3A_324 = tpu.memref_slice %arg2[%mul3A_2] : memref<4096xi32, #tpu.memory_space<hbm>> -> memref<128xi32, #tpu.memory_space<hbm>>
      tpu.wait_dma2 semaphore(%run_scoped3A : memref<!tpu.dma_semaphore, #tpu.memory_space<semaphore_mem>>) src(%dma_wait3A_324 : memref<128xi32, #tpu.memory_space<hbm>>) dst(%arg5 : memref<128xi32, #tpu.memory_space<vmem>>)
      tpu.yield
    }) : () -> ()
    %dma_start3A = arith.constant 0 : i32
    %dma_start3A_3 = tpu.memref_slice %arg5[%dma_start3A] : memref<128xi32, #tpu.memory_space<vmem>> -> memref<8xi32, #tpu.memory_space<vmem>>
    %dma_start3A_4 = arith.constant 0 : i32
    %dma_start3A_5 = arith.constant 0 : i32
    %dma_start3A_6 = tpu.memref_slice %arg3[%dma_start3A_4, %dma_start3A_5] : memref<1000x4096xf32, #tpu.memory_space<hbm>> -> memref<1000x4096xf32, #tpu.memory_space<hbm>>
    tpu.enqueue_indirect_dma source(%dma_start3A_6 : memref<1000x4096xf32, #tpu.memory_space<hbm>>) target(%arg6 : memref<8x4096xf32, #tpu.memory_space<vmem>>) offsets(%dma_start3A_3 : memref<8xi32, #tpu.memory_space<vmem>>) semaphore(%arg9 : memref<!tpu.dma_semaphore, #tpu.memory_space<semaphore_mem>>)
    %dma_start3A_7 = arith.constant 8 : i32
    %dma_start3A_8 = tpu.memref_slice %arg5[%dma_start3A_7] : memref<128xi32, #tpu.memory_space<vmem>> -> memref<8xi32, #tpu.memory_space<vmem>>
    %dma_start3A_9 = arith.constant 0 : i32
    %dma_start3A_10 = arith.constant 0 : i32
    %dma_start3A_11 = tpu.memref_slice %arg3[%dma_start3A_9, %dma_start3A_10] : memref<1000x4096xf32, #tpu.memory_space<hbm>> -> memref<1000x4096xf32, #tpu.memory_space<hbm>>
    tpu.enqueue_indirect_dma source(%dma_start3A_11 : memref<1000x4096xf32, #tpu.memory_space<hbm>>) target(%arg7 : memref<8x4096xf32, #tpu.memory_space<vmem>>) offsets(%dma_start3A_8 : memref<8xi32, #tpu.memory_space<vmem>>) semaphore(%arg10 : memref<!tpu.dma_semaphore, #tpu.memory_space<semaphore_mem>>)
    %dma_wait3A = arith.constant 0 : i32
    %dma_wait3A_12 = tpu.memref_slice %arg5[%dma_wait3A] : memref<128xi32, #tpu.memory_space<vmem>> -> memref<8xi32, #tpu.memory_space<vmem>>
    %dma_wait3A_13 = arith.constant 0 : i32
    %dma_wait3A_14 = arith.constant 0 : i32
    %dma_wait3A_15 = tpu.memref_slice %arg3[%dma_wait3A_13, %dma_wait3A_14] : memref<1000x4096xf32, #tpu.memory_space<hbm>> -> memref<1000x4096xf32, #tpu.memory_space<hbm>>
    tpu.wait_indirect_dma semaphore(%arg9 : memref<!tpu.dma_semaphore, #tpu.memory_space<semaphore_mem>>) src(%dma_wait3A_15 : memref<1000x4096xf32, #tpu.memory_space<hbm>>) dst(%arg6 : memref<8x4096xf32, #tpu.memory_space<vmem>>)
    %add3A_16 = arith.constant 0 : i32
    %add3A_17 = arith.addi %mul3A_2, %add3A_16 : i32
    %dma_start3A_18 = arith.constant 0 : i32
    %dma_start3A_19 = tpu.memref_slice %arg4[%add3A_17, %dma_start3A_18] : memref<4096x4096xf32, #tpu.memory_space<hbm>> -> memref<8x4096xf32, #tpu.memory_space<hbm>>
    %dma_start3A_20 = arith.constant 0 : i32
    %dma_start3A_21 = tpu.memref_slice %arg4[%add3A_17, %dma_start3A_20] : memref<4096x4096xf32, #tpu.memory_space<hbm>> -> memref<8x4096xf32, #tpu.memory_space<hbm>>
    tpu.enqueue_dma source(%arg6 : memref<8x4096xf32, #tpu.memory_space<vmem>>) target(%dma_start3A_21 : memref<8x4096xf32, #tpu.memory_space<hbm>>) target_semaphore(%arg12 : memref<!tpu.dma_semaphore, #tpu.memory_space<semaphore_mem>>)
    %dma_start3A_22 = arith.constant 16 : i32
    %dma_start3A_23 = tpu.memref_slice %arg5[%dma_start3A_22] : memref<128xi32, #tpu.memory_space<vmem>> -> memref<8xi32, #tpu.memory_space<vmem>>
    %dma_start3A_24 = arith.constant 0 : i32
    %dma_start3A_25 = arith.constant 0 : i32
    %dma_start3A_26 = tpu.memref_slice %arg3[%dma_start3A_24, %dma_start3A_25] : memref<1000x4096xf32, #tpu.memory_space<hbm>> -> memref<1000x4096xf32, #tpu.memory_space<hbm>>
    tpu.enqueue_indirect_dma source(%dma_start3A_26 : memref<1000x4096xf32, #tpu.memory_space<hbm>>) target(%arg8 : memref<8x4096xf32, #tpu.memory_space<vmem>>) offsets(%dma_start3A_23 : memref<8xi32, #tpu.memory_space<vmem>>) semaphore(%arg11 : memref<!tpu.dma_semaphore, #tpu.memory_space<semaphore_mem>>)
    %dma_wait3A_27 = arith.constant 8 : i32
    %dma_wait3A_28 = tpu.memref_slice %arg5[%dma_wait3A_27] : memref<128xi32, #tpu.memory_space<vmem>> -> memref<8xi32, #tpu.memory_space<vmem>>
    %dma_wait3A_29 = arith.constant 0 : i32
    %dma_wait3A_30 = arith.constant 0 : i32
    %dma_wait3A_31 = tpu.memref_slice %arg3[%dma_wait3A_29, %dma_wait3A_30] : memref<1000x4096xf32, #tpu.memory_space<hbm>> -> memref<1000x4096xf32, #tpu.memory_space<hbm>>
    tpu.wait_indirect_dma semaphore(%arg10 : memref<!tpu.dma_semaphore, #tpu.memory_space<semaphore_mem>>) src(%dma_wait3A_31 : memref<1000x4096xf32, #tpu.memory_space<hbm>>) dst(%arg7 : memref<8x4096xf32, #tpu.memory_space<vmem>>)
    %add3A_32 = arith.constant 8 : i32
    %add3A_33 = arith.addi %mul3A_2, %add3A_32 : i32
    %dma_start3A_34 = arith.constant 0 : i32
    %dma_start3A_35 = tpu.memref_slice %arg4[%add3A_33, %dma_start3A_34] : memref<4096x4096xf32, #tpu.memory_space<hbm>> -> memref<8x4096xf32, #tpu.memory_space<hbm>>
    %dma_start3A_36 = arith.constant 0 : i32
    %dma_start3A_37 = tpu.memref_slice %arg4[%add3A_33, %dma_start3A_36] : memref<4096x4096xf32, #tpu.memory_space<hbm>> -> memref<8x4096xf32, #tpu.memory_space<hbm>>
    tpu.enqueue_dma source(%arg7 : memref<8x4096xf32, #tpu.memory_space<vmem>>) target(%dma_start3A_37 : memref<8x4096xf32, #tpu.memory_space<hbm>>) target_semaphore(%arg13 : memref<!tpu.dma_semaphore, #tpu.memory_space<semaphore_mem>>)
    %dma_wait3A_38 = arith.constant 0 : i32
    %dma_wait3A_39 = tpu.memref_slice %arg4[%add3A_17, %dma_wait3A_38] : memref<4096x4096xf32, #tpu.memory_space<hbm>> -> memref<8x4096xf32, #tpu.memory_space<hbm>>
    %dma_wait3A_40 = arith.constant 0 : i32
    %dma_wait3A_41 = tpu.memref_slice %arg4[%add3A_17, %dma_wait3A_40] : memref<4096x4096xf32, #tpu.memory_space<hbm>> -> memref<8x4096xf32, #tpu.memory_space<hbm>>
    tpu.wait_dma2 semaphore(%arg12 : memref<!tpu.dma_semaphore, #tpu.memory_space<semaphore_mem>>) src(%arg6 : memref<8x4096xf32, #tpu.memory_space<vmem>>) dst(%dma_wait3A_41 : memref<8x4096xf32, #tpu.memory_space<hbm>>)
    %dma_start3A_42 = arith.constant 24 : i32
    %dma_start3A_43 = tpu.memref_slice %arg5[%dma_start3A_42] : memref<128xi32, #tpu.memory_space<vmem>> -> memref<8xi32, #tpu.memory_space<vmem>>
    %dma_start3A_44 = arith.constant 0 : i32
    %dma_start3A_45 = arith.constant 0 : i32
    %dma_start3A_46 = tpu.memref_slice %arg3[%dma_start3A_44, %dma_start3A_45] : memref<1000x4096xf32, #tpu.memory_space<hbm>> -> memref<1000x4096xf32, #tpu.memory_space<hbm>>
    tpu.enqueue_indirect_dma source(%dma_start3A_46 : memref<1000x4096xf32, #tpu.memory_space<hbm>>) target(%arg6 : memref<8x4096xf32, #tpu.memory_space<vmem>>) offsets(%dma_start3A_43 : memref<8xi32, #tpu.memory_space<vmem>>) semaphore(%arg9 : memref<!tpu.dma_semaphore, #tpu.memory_space<semaphore_mem>>)
    %dma_wait3A_47 = arith.constant 16 : i32
    %dma_wait3A_48 = tpu.memref_slice %arg5[%dma_wait3A_47] : memref<128xi32, #tpu.memory_space<vmem>> -> memref<8xi32, #tpu.memory_space<vmem>>
    %dma_wait3A_49 = arith.constant 0 : i32
    %dma_wait3A_50 = arith.constant 0 : i32
    %dma_wait3A_51 = tpu.memref_slice %arg3[%dma_wait3A_49, %dma_wait3A_50] : memref<1000x4096xf32, #tpu.memory_space<hbm>> -> memref<1000x4096xf32, #tpu.memory_space<hbm>>
    tpu.wait_indirect_dma semaphore(%arg11 : memref<!tpu.dma_semaphore, #tpu.memory_space<semaphore_mem>>) src(%dma_wait3A_51 : memref<1000x4096xf32, #tpu.memory_space<hbm>>) dst(%arg8 : memref<8x4096xf32, #tpu.memory_space<vmem>>)
    %add3A_52 = arith.constant 16 : i32
    %add3A_53 = arith.addi %mul3A_2, %add3A_52 : i32
    %dma_start3A_54 = arith.constant 0 : i32
    %dma_start3A_55 = tpu.memref_slice %arg4[%add3A_53, %dma_start3A_54] : memref<4096x4096xf32, #tpu.memory_space<hbm>> -> memref<8x4096xf32, #tpu.memory_space<hbm>>
    %dma_start3A_56 = arith.constant 0 : i32
    %dma_start3A_57 = tpu.memref_slice %arg4[%add3A_53, %dma_start3A_56] : memref<4096x4096xf32, #tpu.memory_space<hbm>> -> memref<8x4096xf32, #tpu.memory_space<hbm>>
    tpu.enqueue_dma source(%arg8 : memref<8x4096xf32, #tpu.memory_space<vmem>>) target(%dma_start3A_57 : memref<8x4096xf32, #tpu.memory_space<hbm>>) target_semaphore(%arg14 : memref<!tpu.dma_semaphore, #tpu.memory_space<semaphore_mem>>)
    %dma_wait3A_58 = arith.constant 0 : i32
    %dma_wait3A_59 = tpu.memref_slice %arg4[%add3A_33, %dma_wait3A_58] : memref<4096x4096xf32, #tpu.memory_space<hbm>> -> memref<8x4096xf32, #tpu.memory_space<hbm>>
    %dma_wait3A_60 = arith.constant 0 : i32
    %dma_wait3A_61 = tpu.memref_slice %arg4[%add3A_33, %dma_wait3A_60] : memref<4096x4096xf32, #tpu.memory_space<hbm>> -> memref<8x4096xf32, #tpu.memory_space<hbm>>
    tpu.wait_dma2 semaphore(%arg13 : memref<!tpu.dma_semaphore, #tpu.memory_space<semaphore_mem>>) src(%arg7 : memref<8x4096xf32, #tpu.memory_space<vmem>>) dst(%dma_wait3A_61 : memref<8x4096xf32, #tpu.memory_space<hbm>>)
    %dma_start3A_62 = arith.constant 32 : i32
    %dma_start3A_63 = tpu.memref_slice %arg5[%dma_start3A_62] : memref<128xi32, #tpu.memory_space<vmem>> -> memref<8xi32, #tpu.memory_space<vmem>>
    %dma_start3A_64 = arith.constant 0 : i32
    %dma_start3A_65 = arith.constant 0 : i32
    %dma_start3A_66 = tpu.memref_slice %arg3[%dma_start3A_64, %dma_start3A_65] : memref<1000x4096xf32, #tpu.memory_space<hbm>> -> memref<1000x4096xf32, #tpu.memory_space<hbm>>
    tpu.enqueue_indirect_dma source(%dma_start3A_66 : memref<1000x4096xf32, #tpu.memory_space<hbm>>) target(%arg7 : memref<8x4096xf32, #tpu.memory_space<vmem>>) offsets(%dma_start3A_63 : memref<8xi32, #tpu.memory_space<vmem>>) semaphore(%arg10 : memref<!tpu.dma_semaphore, #tpu.memory_space<semaphore_mem>>)
    %dma_wait3A_67 = arith.constant 24 : i32
    %dma_wait3A_68 = tpu.memref_slice %arg5[%dma_wait3A_67] : memref<128xi32, #tpu.memory_space<vmem>> -> memref<8xi32, #tpu.memory_space<vmem>>
    %dma_wait3A_69 = arith.constant 0 : i32
    %dma_wait3A_70 = arith.constant 0 : i32
    %dma_wait3A_71 = tpu.memref_slice %arg3[%dma_wait3A_69, %dma_wait3A_70] : memref<1000x4096xf32, #tpu.memory_space<hbm>> -> memref<1000x4096xf32, #tpu.memory_space<hbm>>
    tpu.wait_indirect_dma semaphore(%arg9 : memref<!tpu.dma_semaphore, #tpu.memory_space<semaphore_mem>>) src(%dma_wait3A_71 : memref<1000x4096xf32, #tpu.memory_space<hbm>>) dst(%arg6 : memref<8x4096xf32, #tpu.memory_space<vmem>>)
    %add3A_72 = arith.constant 24 : i32
    %add3A_73 = arith.addi %mul3A_2, %add3A_72 : i32
    %dma_start3A_74 = arith.constant 0 : i32
    %dma_start3A_75 = tpu.memref_slice %arg4[%add3A_73, %dma_start3A_74] : memref<4096x4096xf32, #tpu.memory_space<hbm>> -> memref<8x4096xf32, #tpu.memory_space<hbm>>
    %dma_start3A_76 = arith.constant 0 : i32
    %dma_start3A_77 = tpu.memref_slice %arg4[%add3A_73, %dma_start3A_76] : memref<4096x4096xf32, #tpu.memory_space<hbm>> -> memref<8x4096xf32, #tpu.memory_space<hbm>>
    tpu.enqueue_dma source(%arg6 : memref<8x4096xf32, #tpu.memory_space<vmem>>) target(%dma_start3A_77 : memref<8x4096xf32, #tpu.memory_space<hbm>>) target_semaphore(%arg12 : memref<!tpu.dma_semaphore, #tpu.memory_space<semaphore_mem>>)
    %dma_wait3A_78 = arith.constant 0 : i32
    %dma_wait3A_79 = tpu.memref_slice %arg4[%add3A_53, %dma_wait3A_78] : memref<4096x4096xf32, #tpu.memory_space<hbm>> -> memref<8x4096xf32, #tpu.memory_space<hbm>>
    %dma_wait3A_80 = arith.constant 0 : i32
    %dma_wait3A_81 = tpu.memref_slice %arg4[%add3A_53, %dma_wait3A_80] : memref<4096x4096xf32, #tpu.memory_space<hbm>> -> memref<8x4096xf32, #tpu.memory_space<hbm>>
    tpu.wait_dma2 semaphore(%arg14 : memref<!tpu.dma_semaphore, #tpu.memory_space<semaphore_mem>>) src(%arg8 : memref<8x4096xf32, #tpu.memory_space<vmem>>) dst(%dma_wait3A_81 : memref<8x4096xf32, #tpu.memory_space<hbm>>)
    %dma_start3A_82 = arith.constant 40 : i32
    %dma_start3A_83 = tpu.memref_slice %arg5[%dma_start3A_82] : memref<128xi32, #tpu.memory_space<vmem>> -> memref<8xi32, #tpu.memory_space<vmem>>
    %dma_start3A_84 = arith.constant 0 : i32
    %dma_start3A_85 = arith.constant 0 : i32
    %dma_start3A_86 = tpu.memref_slice %arg3[%dma_start3A_84, %dma_start3A_85] : memref<1000x4096xf32, #tpu.memory_space<hbm>> -> memref<1000x4096xf32, #tpu.memory_space<hbm>>
    tpu.enqueue_indirect_dma source(%dma_start3A_86 : memref<1000x4096xf32, #tpu.memory_space<hbm>>) target(%arg8 : memref<8x4096xf32, #tpu.memory_space<vmem>>) offsets(%dma_start3A_83 : memref<8xi32, #tpu.memory_space<vmem>>) semaphore(%arg11 : memref<!tpu.dma_semaphore, #tpu.memory_space<semaphore_mem>>)
    %dma_wait3A_87 = arith.constant 32 : i32
    %dma_wait3A_88 = tpu.memref_slice %arg5[%dma_wait3A_87] : memref<128xi32, #tpu.memory_space<vmem>> -> memref<8xi32, #tpu.memory_space<vmem>>
    %dma_wait3A_89 = arith.constant 0 : i32
    %dma_wait3A_90 = arith.constant 0 : i32
    %dma_wait3A_91 = tpu.memref_slice %arg3[%dma_wait3A_89, %dma_wait3A_90] : memref<1000x4096xf32, #tpu.memory_space<hbm>> -> memref<1000x4096xf32, #tpu.memory_space<hbm>>
    tpu.wait_indirect_dma semaphore(%arg10 : memref<!tpu.dma_semaphore, #tpu.memory_space<semaphore_mem>>) src(%dma_wait3A_91 : memref<1000x4096xf32, #tpu.memory_space<hbm>>) dst(%arg7 : memref<8x4096xf32, #tpu.memory_space<vmem>>)
    %add3A_92 = arith.constant 32 : i32
    %add3A_93 = arith.addi %mul3A_2, %add3A_92 : i32
    %dma_start3A_94 = arith.constant 0 : i32
    %dma_start3A_95 = tpu.memref_slice %arg4[%add3A_93, %dma_start3A_94] : memref<4096x4096xf32, #tpu.memory_space<hbm>> -> memref<8x4096xf32, #tpu.memory_space<hbm>>
    %dma_start3A_96 = arith.constant 0 : i32
    %dma_start3A_97 = tpu.memref_slice %arg4[%add3A_93, %dma_start3A_96] : memref<4096x4096xf32, #tpu.memory_space<hbm>> -> memref<8x4096xf32, #tpu.memory_space<hbm>>
    tpu.enqueue_dma source(%arg7 : memref<8x4096xf32, #tpu.memory_space<vmem>>) target(%dma_start3A_97 : memref<8x4096xf32, #tpu.memory_space<hbm>>) target_semaphore(%arg13 : memref<!tpu.dma_semaphore, #tpu.memory_space<semaphore_mem>>)
    %dma_wait3A_98 = arith.constant 0 : i32
    %dma_wait3A_99 = tpu.memref_slice %arg4[%add3A_73, %dma_wait3A_98] : memref<4096x4096xf32, #tpu.memory_space<hbm>> -> memref<8x4096xf32, #tpu.memory_space<hbm>>
    %dma_wait3A_100 = arith.constant 0 : i32
    %dma_wait3A_101 = tpu.memref_slice %arg4[%add3A_73, %dma_wait3A_100] : memref<4096x4096xf32, #tpu.memory_space<hbm>> -> memref<8x4096xf32, #tpu.memory_space<hbm>>
    tpu.wait_dma2 semaphore(%arg12 : memref<!tpu.dma_semaphore, #tpu.memory_space<semaphore_mem>>) src(%arg6 : memref<8x4096xf32, #tpu.memory_space<vmem>>) dst(%dma_wait3A_101 : memref<8x4096xf32, #tpu.memory_space<hbm>>)
    %dma_start3A_102 = arith.constant 48 : i32
    %dma_start3A_103 = tpu.memref_slice %arg5[%dma_start3A_102] : memref<128xi32, #tpu.memory_space<vmem>> -> memref<8xi32, #tpu.memory_space<vmem>>
    %dma_start3A_104 = arith.constant 0 : i32
    %dma_start3A_105 = arith.constant 0 : i32
    %dma_start3A_106 = tpu.memref_slice %arg3[%dma_start3A_104, %dma_start3A_105] : memref<1000x4096xf32, #tpu.memory_space<hbm>> -> memref<1000x4096xf32, #tpu.memory_space<hbm>>
    tpu.enqueue_indirect_dma source(%dma_start3A_106 : memref<1000x4096xf32, #tpu.memory_space<hbm>>) target(%arg6 : memref<8x4096xf32, #tpu.memory_space<vmem>>) offsets(%dma_start3A_103 : memref<8xi32, #tpu.memory_space<vmem>>) semaphore(%arg9 : memref<!tpu.dma_semaphore, #tpu.memory_space<semaphore_mem>>)
    %dma_wait3A_107 = arith.constant 40 : i32
    %dma_wait3A_108 = tpu.memref_slice %arg5[%dma_wait3A_107] : memref<128xi32, #tpu.memory_space<vmem>> -> memref<8xi32, #tpu.memory_space<vmem>>
    %dma_wait3A_109 = arith.constant 0 : i32
    %dma_wait3A_110 = arith.constant 0 : i32
    %dma_wait3A_111 = tpu.memref_slice %arg3[%dma_wait3A_109, %dma_wait3A_110] : memref<1000x4096xf32, #tpu.memory_space<hbm>> -> memref<1000x4096xf32, #tpu.memory_space<hbm>>
    tpu.wait_indirect_dma semaphore(%arg11 : memref<!tpu.dma_semaphore, #tpu.memory_space<semaphore_mem>>) src(%dma_wait3A_111 : memref<1000x4096xf32, #tpu.memory_space<hbm>>) dst(%arg8 : memref<8x4096xf32, #tpu.memory_space<vmem>>)
    %add3A_112 = arith.constant 40 : i32
    %add3A_113 = arith.addi %mul3A_2, %add3A_112 : i32
    %dma_start3A_114 = arith.constant 0 : i32
    %dma_start3A_115 = tpu.memref_slice %arg4[%add3A_113, %dma_start3A_114] : memref<4096x4096xf32, #tpu.memory_space<hbm>> -> memref<8x4096xf32, #tpu.memory_space<hbm>>
    %dma_start3A_116 = arith.constant 0 : i32
    %dma_start3A_117 = tpu.memref_slice %arg4[%add3A_113, %dma_start3A_116] : memref<4096x4096xf32, #tpu.memory_space<hbm>> -> memref<8x4096xf32, #tpu.memory_space<hbm>>
    tpu.enqueue_dma source(%arg8 : memref<8x4096xf32, #tpu.memory_space<vmem>>) target(%dma_start3A_117 : memref<8x4096xf32, #tpu.memory_space<hbm>>) target_semaphore(%arg14 : memref<!tpu.dma_semaphore, #tpu.memory_space<semaphore_mem>>)
    %dma_wait3A_118 = arith.constant 0 : i32
    %dma_wait3A_119 = tpu.memref_slice %arg4[%add3A_93, %dma_wait3A_118] : memref<4096x4096xf32, #tpu.memory_space<hbm>> -> memref<8x4096xf32, #tpu.memory_space<hbm>>
    %dma_wait3A_120 = arith.constant 0 : i32
    %dma_wait3A_121 = tpu.memref_slice %arg4[%add3A_93, %dma_wait3A_120] : memref<4096x4096xf32, #tpu.memory_space<hbm>> -> memref<8x4096xf32, #tpu.memory_space<hbm>>
    tpu.wait_dma2 semaphore(%arg13 : memref<!tpu.dma_semaphore, #tpu.memory_space<semaphore_mem>>) src(%arg7 : memref<8x4096xf32, #tpu.memory_space<vmem>>) dst(%dma_wait3A_121 : memref<8x4096xf32, #tpu.memory_space<hbm>>)
    %dma_start3A_122 = arith.constant 56 : i32
    %dma_start3A_123 = tpu.memref_slice %arg5[%dma_start3A_122] : memref<128xi32, #tpu.memory_space<vmem>> -> memref<8xi32, #tpu.memory_space<vmem>>
    %dma_start3A_124 = arith.constant 0 : i32
    %dma_start3A_125 = arith.constant 0 : i32
    %dma_start3A_126 = tpu.memref_slice %arg3[%dma_start3A_124, %dma_start3A_125] : memref<1000x4096xf32, #tpu.memory_space<hbm>> -> memref<1000x4096xf32, #tpu.memory_space<hbm>>
    tpu.enqueue_indirect_dma source(%dma_start3A_126 : memref<1000x4096xf32, #tpu.memory_space<hbm>>) target(%arg7 : memref<8x4096xf32, #tpu.memory_space<vmem>>) offsets(%dma_start3A_123 : memref<8xi32, #tpu.memory_space<vmem>>) semaphore(%arg10 : memref<!tpu.dma_semaphore, #tpu.memory_space<semaphore_mem>>)
    %dma_wait3A_127 = arith.constant 48 : i32
    %dma_wait3A_128 = tpu.memref_slice %arg5[%dma_wait3A_127] : memref<128xi32, #tpu.memory_space<vmem>> -> memref<8xi32, #tpu.memory_space<vmem>>
    %dma_wait3A_129 = arith.constant 0 : i32
    %dma_wait3A_130 = arith.constant 0 : i32
    %dma_wait3A_131 = tpu.memref_slice %arg3[%dma_wait3A_129, %dma_wait3A_130] : memref<1000x4096xf32, #tpu.memory_space<hbm>> -> memref<1000x4096xf32, #tpu.memory_space<hbm>>
    tpu.wait_indirect_dma semaphore(%arg9 : memref<!tpu.dma_semaphore, #tpu.memory_space<semaphore_mem>>) src(%dma_wait3A_131 : memref<1000x4096xf32, #tpu.memory_space<hbm>>) dst(%arg6 : memref<8x4096xf32, #tpu.memory_space<vmem>>)
    %add3A_132 = arith.constant 48 : i32
    %add3A_133 = arith.addi %mul3A_2, %add3A_132 : i32
    %dma_start3A_134 = arith.constant 0 : i32
    %dma_start3A_135 = tpu.memref_slice %arg4[%add3A_133, %dma_start3A_134] : memref<4096x4096xf32, #tpu.memory_space<hbm>> -> memref<8x4096xf32, #tpu.memory_space<hbm>>
    %dma_start3A_136 = arith.constant 0 : i32
    %dma_start3A_137 = tpu.memref_slice %arg4[%add3A_133, %dma_start3A_136] : memref<4096x4096xf32, #tpu.memory_space<hbm>> -> memref<8x4096xf32, #tpu.memory_space<hbm>>
    tpu.enqueue_dma source(%arg6 : memref<8x4096xf32, #tpu.memory_space<vmem>>) target(%dma_start3A_137 : memref<8x4096xf32, #tpu.memory_space<hbm>>) target_semaphore(%arg12 : memref<!tpu.dma_semaphore, #tpu.memory_space<semaphore_mem>>)
    %dma_wait3A_138 = arith.constant 0 : i32
    %dma_wait3A_139 = tpu.memref_slice %arg4[%add3A_113, %dma_wait3A_138] : memref<4096x4096xf32, #tpu.memory_space<hbm>> -> memref<8x4096xf32, #tpu.memory_space<hbm>>
    %dma_wait3A_140 = arith.constant 0 : i32
    %dma_wait3A_141 = tpu.memref_slice %arg4[%add3A_113, %dma_wait3A_140] : memref<4096x4096xf32, #tpu.memory_space<hbm>> -> memref<8x4096xf32, #tpu.memory_space<hbm>>
    tpu.wait_dma2 semaphore(%arg14 : memref<!tpu.dma_semaphore, #tpu.memory_space<semaphore_mem>>) src(%arg8 : memref<8x4096xf32, #tpu.memory_space<vmem>>) dst(%dma_wait3A_141 : memref<8x4096xf32, #tpu.memory_space<hbm>>)
    %dma_start3A_142 = arith.constant 64 : i32
    %dma_start3A_143 = tpu.memref_slice %arg5[%dma_start3A_142] : memref<128xi32, #tpu.memory_space<vmem>> -> memref<8xi32, #tpu.memory_space<vmem>>
    %dma_start3A_144 = arith.constant 0 : i32
    %dma_start3A_145 = arith.constant 0 : i32
    %dma_start3A_146 = tpu.memref_slice %arg3[%dma_start3A_144, %dma_start3A_145] : memref<1000x4096xf32, #tpu.memory_space<hbm>> -> memref<1000x4096xf32, #tpu.memory_space<hbm>>
    tpu.enqueue_indirect_dma source(%dma_start3A_146 : memref<1000x4096xf32, #tpu.memory_space<hbm>>) target(%arg8 : memref<8x4096xf32, #tpu.memory_space<vmem>>) offsets(%dma_start3A_143 : memref<8xi32, #tpu.memory_space<vmem>>) semaphore(%arg11 : memref<!tpu.dma_semaphore, #tpu.memory_space<semaphore_mem>>)
    %dma_wait3A_147 = arith.constant 56 : i32
    %dma_wait3A_148 = tpu.memref_slice %arg5[%dma_wait3A_147] : memref<128xi32, #tpu.memory_space<vmem>> -> memref<8xi32, #tpu.memory_space<vmem>>
    %dma_wait3A_149 = arith.constant 0 : i32
    %dma_wait3A_150 = arith.constant 0 : i32
    %dma_wait3A_151 = tpu.memref_slice %arg3[%dma_wait3A_149, %dma_wait3A_150] : memref<1000x4096xf32, #tpu.memory_space<hbm>> -> memref<1000x4096xf32, #tpu.memory_space<hbm>>
    tpu.wait_indirect_dma semaphore(%arg10 : memref<!tpu.dma_semaphore, #tpu.memory_space<semaphore_mem>>) src(%dma_wait3A_151 : memref<1000x4096xf32, #tpu.memory_space<hbm>>) dst(%arg7 : memref<8x4096xf32, #tpu.memory_space<vmem>>)
    %add3A_152 = arith.constant 56 : i32
    %add3A_153 = arith.addi %mul3A_2, %add3A_152 : i32
    %dma_start3A_154 = arith.constant 0 : i32
    %dma_start3A_155 = tpu.memref_slice %arg4[%add3A_153, %dma_start3A_154] : memref<4096x4096xf32, #tpu.memory_space<hbm>> -> memref<8x4096xf32, #tpu.memory_space<hbm>>
    %dma_start3A_156 = arith.constant 0 : i32
    %dma_start3A_157 = tpu.memref_slice %arg4[%add3A_153, %dma_start3A_156] : memref<4096x4096xf32, #tpu.memory_space<hbm>> -> memref<8x4096xf32, #tpu.memory_space<hbm>>
    tpu.enqueue_dma source(%arg7 : memref<8x4096xf32, #tpu.memory_space<vmem>>) target(%dma_start3A_157 : memref<8x4096xf32, #tpu.memory_space<hbm>>) target_semaphore(%arg13 : memref<!tpu.dma_semaphore, #tpu.memory_space<semaphore_mem>>)
    %dma_wait3A_158 = arith.constant 0 : i32
    %dma_wait3A_159 = tpu.memref_slice %arg4[%add3A_133, %dma_wait3A_158] : memref<4096x4096xf32, #tpu.memory_space<hbm>> -> memref<8x4096xf32, #tpu.memory_space<hbm>>
    %dma_wait3A_160 = arith.constant 0 : i32
    %dma_wait3A_161 = tpu.memref_slice %arg4[%add3A_133, %dma_wait3A_160] : memref<4096x4096xf32, #tpu.memory_space<hbm>> -> memref<8x4096xf32, #tpu.memory_space<hbm>>
    tpu.wait_dma2 semaphore(%arg12 : memref<!tpu.dma_semaphore, #tpu.memory_space<semaphore_mem>>) src(%arg6 : memref<8x4096xf32, #tpu.memory_space<vmem>>) dst(%dma_wait3A_161 : memref<8x4096xf32, #tpu.memory_space<hbm>>)
    %dma_start3A_162 = arith.constant 72 : i32
    %dma_start3A_163 = tpu.memref_slice %arg5[%dma_start3A_162] : memref<128xi32, #tpu.memory_space<vmem>> -> memref<8xi32, #tpu.memory_space<vmem>>
    %dma_start3A_164 = arith.constant 0 : i32
    %dma_start3A_165 = arith.constant 0 : i32
    %dma_start3A_166 = tpu.memref_slice %arg3[%dma_start3A_164, %dma_start3A_165] : memref<1000x4096xf32, #tpu.memory_space<hbm>> -> memref<1000x4096xf32, #tpu.memory_space<hbm>>
    tpu.enqueue_indirect_dma source(%dma_start3A_166 : memref<1000x4096xf32, #tpu.memory_space<hbm>>) target(%arg6 : memref<8x4096xf32, #tpu.memory_space<vmem>>) offsets(%dma_start3A_163 : memref<8xi32, #tpu.memory_space<vmem>>) semaphore(%arg9 : memref<!tpu.dma_semaphore, #tpu.memory_space<semaphore_mem>>)
    %dma_wait3A_167 = arith.constant 64 : i32
    %dma_wait3A_168 = tpu.memref_slice %arg5[%dma_wait3A_167] : memref<128xi32, #tpu.memory_space<vmem>> -> memref<8xi32, #tpu.memory_space<vmem>>
    %dma_wait3A_169 = arith.constant 0 : i32
    %dma_wait3A_170 = arith.constant 0 : i32
    %dma_wait3A_171 = tpu.memref_slice %arg3[%dma_wait3A_169, %dma_wait3A_170] : memref<1000x4096xf32, #tpu.memory_space<hbm>> -> memref<1000x4096xf32, #tpu.memory_space<hbm>>
    tpu.wait_indirect_dma semaphore(%arg11 : memref<!tpu.dma_semaphore, #tpu.memory_space<semaphore_mem>>) src(%dma_wait3A_171 : memref<1000x4096xf32, #tpu.memory_space<hbm>>) dst(%arg8 : memref<8x4096xf32, #tpu.memory_space<vmem>>)
    %add3A_172 = arith.constant 64 : i32
    %add3A_173 = arith.addi %mul3A_2, %add3A_172 : i32
    %dma_start3A_174 = arith.constant 0 : i32
    %dma_start3A_175 = tpu.memref_slice %arg4[%add3A_173, %dma_start3A_174] : memref<4096x4096xf32, #tpu.memory_space<hbm>> -> memref<8x4096xf32, #tpu.memory_space<hbm>>
    %dma_start3A_176 = arith.constant 0 : i32
    %dma_start3A_177 = tpu.memref_slice %arg4[%add3A_173, %dma_start3A_176] : memref<4096x4096xf32, #tpu.memory_space<hbm>> -> memref<8x4096xf32, #tpu.memory_space<hbm>>
    tpu.enqueue_dma source(%arg8 : memref<8x4096xf32, #tpu.memory_space<vmem>>) target(%dma_start3A_177 : memref<8x4096xf32, #tpu.memory_space<hbm>>) target_semaphore(%arg14 : memref<!tpu.dma_semaphore, #tpu.memory_space<semaphore_mem>>)
    %dma_wait3A_178 = arith.constant 0 : i32
    %dma_wait3A_179 = tpu.memref_slice %arg4[%add3A_153, %dma_wait3A_178] : memref<4096x4096xf32, #tpu.memory_space<hbm>> -> memref<8x4096xf32, #tpu.memory_space<hbm>>
    %dma_wait3A_180 = arith.constant 0 : i32
    %dma_wait3A_181 = tpu.memref_slice %arg4[%add3A_153, %dma_wait3A_180] : memref<4096x4096xf32, #tpu.memory_space<hbm>> -> memref<8x4096xf32, #tpu.memory_space<hbm>>
    tpu.wait_dma2 semaphore(%arg13 : memref<!tpu.dma_semaphore, #tpu.memory_space<semaphore_mem>>) src(%arg7 : memref<8x4096xf32, #tpu.memory_space<vmem>>) dst(%dma_wait3A_181 : memref<8x4096xf32, #tpu.memory_space<hbm>>)
    %dma_start3A_182 = arith.constant 80 : i32
    %dma_start3A_183 = tpu.memref_slice %arg5[%dma_start3A_182] : memref<128xi32, #tpu.memory_space<vmem>> -> memref<8xi32, #tpu.memory_space<vmem>>
    %dma_start3A_184 = arith.constant 0 : i32
    %dma_start3A_185 = arith.constant 0 : i32
    %dma_start3A_186 = tpu.memref_slice %arg3[%dma_start3A_184, %dma_start3A_185] : memref<1000x4096xf32, #tpu.memory_space<hbm>> -> memref<1000x4096xf32, #tpu.memory_space<hbm>>
    tpu.enqueue_indirect_dma source(%dma_start3A_186 : memref<1000x4096xf32, #tpu.memory_space<hbm>>) target(%arg7 : memref<8x4096xf32, #tpu.memory_space<vmem>>) offsets(%dma_start3A_183 : memref<8xi32, #tpu.memory_space<vmem>>) semaphore(%arg10 : memref<!tpu.dma_semaphore, #tpu.memory_space<semaphore_mem>>)
    %dma_wait3A_187 = arith.constant 72 : i32
    %dma_wait3A_188 = tpu.memref_slice %arg5[%dma_wait3A_187] : memref<128xi32, #tpu.memory_space<vmem>> -> memref<8xi32, #tpu.memory_space<vmem>>
    %dma_wait3A_189 = arith.constant 0 : i32
    %dma_wait3A_190 = arith.constant 0 : i32
    %dma_wait3A_191 = tpu.memref_slice %arg3[%dma_wait3A_189, %dma_wait3A_190] : memref<1000x4096xf32, #tpu.memory_space<hbm>> -> memref<1000x4096xf32, #tpu.memory_space<hbm>>
    tpu.wait_indirect_dma semaphore(%arg9 : memref<!tpu.dma_semaphore, #tpu.memory_space<semaphore_mem>>) src(%dma_wait3A_191 : memref<1000x4096xf32, #tpu.memory_space<hbm>>) dst(%arg6 : memref<8x4096xf32, #tpu.memory_space<vmem>>)
    %add3A_192 = arith.constant 72 : i32
    %add3A_193 = arith.addi %mul3A_2, %add3A_192 : i32
    %dma_start3A_194 = arith.constant 0 : i32
    %dma_start3A_195 = tpu.memref_slice %arg4[%add3A_193, %dma_start3A_194] : memref<4096x4096xf32, #tpu.memory_space<hbm>> -> memref<8x4096xf32, #tpu.memory_space<hbm>>
    %dma_start3A_196 = arith.constant 0 : i32
    %dma_start3A_197 = tpu.memref_slice %arg4[%add3A_193, %dma_start3A_196] : memref<4096x4096xf32, #tpu.memory_space<hbm>> -> memref<8x4096xf32, #tpu.memory_space<hbm>>
    tpu.enqueue_dma source(%arg6 : memref<8x4096xf32, #tpu.memory_space<vmem>>) target(%dma_start3A_197 : memref<8x4096xf32, #tpu.memory_space<hbm>>) target_semaphore(%arg12 : memref<!tpu.dma_semaphore, #tpu.memory_space<semaphore_mem>>)
    %dma_wait3A_198 = arith.constant 0 : i32
    %dma_wait3A_199 = tpu.memref_slice %arg4[%add3A_173, %dma_wait3A_198] : memref<4096x4096xf32, #tpu.memory_space<hbm>> -> memref<8x4096xf32, #tpu.memory_space<hbm>>
    %dma_wait3A_200 = arith.constant 0 : i32
    %dma_wait3A_201 = tpu.memref_slice %arg4[%add3A_173, %dma_wait3A_200] : memref<4096x4096xf32, #tpu.memory_space<hbm>> -> memref<8x4096xf32, #tpu.memory_space<hbm>>
    tpu.wait_dma2 semaphore(%arg14 : memref<!tpu.dma_semaphore, #tpu.memory_space<semaphore_mem>>) src(%arg8 : memref<8x4096xf32, #tpu.memory_space<vmem>>) dst(%dma_wait3A_201 : memref<8x4096xf32, #tpu.memory_space<hbm>>)
    %dma_start3A_202 = arith.constant 88 : i32
    %dma_start3A_203 = tpu.memref_slice %arg5[%dma_start3A_202] : memref<128xi32, #tpu.memory_space<vmem>> -> memref<8xi32, #tpu.memory_space<vmem>>
    %dma_start3A_204 = arith.constant 0 : i32
    %dma_start3A_205 = arith.constant 0 : i32
    %dma_start3A_206 = tpu.memref_slice %arg3[%dma_start3A_204, %dma_start3A_205] : memref<1000x4096xf32, #tpu.memory_space<hbm>> -> memref<1000x4096xf32, #tpu.memory_space<hbm>>
    tpu.enqueue_indirect_dma source(%dma_start3A_206 : memref<1000x4096xf32, #tpu.memory_space<hbm>>) target(%arg8 : memref<8x4096xf32, #tpu.memory_space<vmem>>) offsets(%dma_start3A_203 : memref<8xi32, #tpu.memory_space<vmem>>) semaphore(%arg11 : memref<!tpu.dma_semaphore, #tpu.memory_space<semaphore_mem>>)
    %dma_wait3A_207 = arith.constant 80 : i32
    %dma_wait3A_208 = tpu.memref_slice %arg5[%dma_wait3A_207] : memref<128xi32, #tpu.memory_space<vmem>> -> memref<8xi32, #tpu.memory_space<vmem>>
    %dma_wait3A_209 = arith.constant 0 : i32
    %dma_wait3A_210 = arith.constant 0 : i32
    %dma_wait3A_211 = tpu.memref_slice %arg3[%dma_wait3A_209, %dma_wait3A_210] : memref<1000x4096xf32, #tpu.memory_space<hbm>> -> memref<1000x4096xf32, #tpu.memory_space<hbm>>
    tpu.wait_indirect_dma semaphore(%arg10 : memref<!tpu.dma_semaphore, #tpu.memory_space<semaphore_mem>>) src(%dma_wait3A_211 : memref<1000x4096xf32, #tpu.memory_space<hbm>>) dst(%arg7 : memref<8x4096xf32, #tpu.memory_space<vmem>>)
    %add3A_212 = arith.constant 80 : i32
    %add3A_213 = arith.addi %mul3A_2, %add3A_212 : i32
    %dma_start3A_214 = arith.constant 0 : i32
    %dma_start3A_215 = tpu.memref_slice %arg4[%add3A_213, %dma_start3A_214] : memref<4096x4096xf32, #tpu.memory_space<hbm>> -> memref<8x4096xf32, #tpu.memory_space<hbm>>
    %dma_start3A_216 = arith.constant 0 : i32
    %dma_start3A_217 = tpu.memref_slice %arg4[%add3A_213, %dma_start3A_216] : memref<4096x4096xf32, #tpu.memory_space<hbm>> -> memref<8x4096xf32, #tpu.memory_space<hbm>>
    tpu.enqueue_dma source(%arg7 : memref<8x4096xf32, #tpu.memory_space<vmem>>) target(%dma_start3A_217 : memref<8x4096xf32, #tpu.memory_space<hbm>>) target_semaphore(%arg13 : memref<!tpu.dma_semaphore, #tpu.memory_space<semaphore_mem>>)
    %dma_wait3A_218 = arith.constant 0 : i32
    %dma_wait3A_219 = tpu.memref_slice %arg4[%add3A_193, %dma_wait3A_218] : memref<4096x4096xf32, #tpu.memory_space<hbm>> -> memref<8x4096xf32, #tpu.memory_space<hbm>>
    %dma_wait3A_220 = arith.constant 0 : i32
    %dma_wait3A_221 = tpu.memref_slice %arg4[%add3A_193, %dma_wait3A_220] : memref<4096x4096xf32, #tpu.memory_space<hbm>> -> memref<8x4096xf32, #tpu.memory_space<hbm>>
    tpu.wait_dma2 semaphore(%arg12 : memref<!tpu.dma_semaphore, #tpu.memory_space<semaphore_mem>>) src(%arg6 : memref<8x4096xf32, #tpu.memory_space<vmem>>) dst(%dma_wait3A_221 : memref<8x4096xf32, #tpu.memory_space<hbm>>)
    %dma_start3A_222 = arith.constant 96 : i32
    %dma_start3A_223 = tpu.memref_slice %arg5[%dma_start3A_222] : memref<128xi32, #tpu.memory_space<vmem>> -> memref<8xi32, #tpu.memory_space<vmem>>
    %dma_start3A_224 = arith.constant 0 : i32
    %dma_start3A_225 = arith.constant 0 : i32
    %dma_start3A_226 = tpu.memref_slice %arg3[%dma_start3A_224, %dma_start3A_225] : memref<1000x4096xf32, #tpu.memory_space<hbm>> -> memref<1000x4096xf32, #tpu.memory_space<hbm>>
    tpu.enqueue_indirect_dma source(%dma_start3A_226 : memref<1000x4096xf32, #tpu.memory_space<hbm>>) target(%arg6 : memref<8x4096xf32, #tpu.memory_space<vmem>>) offsets(%dma_start3A_223 : memref<8xi32, #tpu.memory_space<vmem>>) semaphore(%arg9 : memref<!tpu.dma_semaphore, #tpu.memory_space<semaphore_mem>>)
    %dma_wait3A_227 = arith.constant 88 : i32
    %dma_wait3A_228 = tpu.memref_slice %arg5[%dma_wait3A_227] : memref<128xi32, #tpu.memory_space<vmem>> -> memref<8xi32, #tpu.memory_space<vmem>>
    %dma_wait3A_229 = arith.constant 0 : i32
    %dma_wait3A_230 = arith.constant 0 : i32
    %dma_wait3A_231 = tpu.memref_slice %arg3[%dma_wait3A_229, %dma_wait3A_230] : memref<1000x4096xf32, #tpu.memory_space<hbm>> -> memref<1000x4096xf32, #tpu.memory_space<hbm>>
    tpu.wait_indirect_dma semaphore(%arg11 : memref<!tpu.dma_semaphore, #tpu.memory_space<semaphore_mem>>) src(%dma_wait3A_231 : memref<1000x4096xf32, #tpu.memory_space<hbm>>) dst(%arg8 : memref<8x4096xf32, #tpu.memory_space<vmem>>)
    %add3A_232 = arith.constant 88 : i32
    %add3A_233 = arith.addi %mul3A_2, %add3A_232 : i32
    %dma_start3A_234 = arith.constant 0 : i32
    %dma_start3A_235 = tpu.memref_slice %arg4[%add3A_233, %dma_start3A_234] : memref<4096x4096xf32, #tpu.memory_space<hbm>> -> memref<8x4096xf32, #tpu.memory_space<hbm>>
    %dma_start3A_236 = arith.constant 0 : i32
    %dma_start3A_237 = tpu.memref_slice %arg4[%add3A_233, %dma_start3A_236] : memref<4096x4096xf32, #tpu.memory_space<hbm>> -> memref<8x4096xf32, #tpu.memory_space<hbm>>
    tpu.enqueue_dma source(%arg8 : memref<8x4096xf32, #tpu.memory_space<vmem>>) target(%dma_start3A_237 : memref<8x4096xf32, #tpu.memory_space<hbm>>) target_semaphore(%arg14 : memref<!tpu.dma_semaphore, #tpu.memory_space<semaphore_mem>>)
    %dma_wait3A_238 = arith.constant 0 : i32
    %dma_wait3A_239 = tpu.memref_slice %arg4[%add3A_213, %dma_wait3A_238] : memref<4096x4096xf32, #tpu.memory_space<hbm>> -> memref<8x4096xf32, #tpu.memory_space<hbm>>
    %dma_wait3A_240 = arith.constant 0 : i32
    %dma_wait3A_241 = tpu.memref_slice %arg4[%add3A_213, %dma_wait3A_240] : memref<4096x4096xf32, #tpu.memory_space<hbm>> -> memref<8x4096xf32, #tpu.memory_space<hbm>>
    tpu.wait_dma2 semaphore(%arg13 : memref<!tpu.dma_semaphore, #tpu.memory_space<semaphore_mem>>) src(%arg7 : memref<8x4096xf32, #tpu.memory_space<vmem>>) dst(%dma_wait3A_241 : memref<8x4096xf32, #tpu.memory_space<hbm>>)
    %dma_start3A_242 = arith.constant 104 : i32
    %dma_start3A_243 = tpu.memref_slice %arg5[%dma_start3A_242] : memref<128xi32, #tpu.memory_space<vmem>> -> memref<8xi32, #tpu.memory_space<vmem>>
    %dma_start3A_244 = arith.constant 0 : i32
    %dma_start3A_245 = arith.constant 0 : i32
    %dma_start3A_246 = tpu.memref_slice %arg3[%dma_start3A_244, %dma_start3A_245] : memref<1000x4096xf32, #tpu.memory_space<hbm>> -> memref<1000x4096xf32, #tpu.memory_space<hbm>>
    tpu.enqueue_indirect_dma source(%dma_start3A_246 : memref<1000x4096xf32, #tpu.memory_space<hbm>>) target(%arg7 : memref<8x4096xf32, #tpu.memory_space<vmem>>) offsets(%dma_start3A_243 : memref<8xi32, #tpu.memory_space<vmem>>) semaphore(%arg10 : memref<!tpu.dma_semaphore, #tpu.memory_space<semaphore_mem>>)
    %dma_wait3A_247 = arith.constant 96 : i32
    %dma_wait3A_248 = tpu.memref_slice %arg5[%dma_wait3A_247] : memref<128xi32, #tpu.memory_space<vmem>> -> memref<8xi32, #tpu.memory_space<vmem>>
    %dma_wait3A_249 = arith.constant 0 : i32
    %dma_wait3A_250 = arith.constant 0 : i32
    %dma_wait3A_251 = tpu.memref_slice %arg3[%dma_wait3A_249, %dma_wait3A_250] : memref<1000x4096xf32, #tpu.memory_space<hbm>> -> memref<1000x4096xf32, #tpu.memory_space<hbm>>
    tpu.wait_indirect_dma semaphore(%arg9 : memref<!tpu.dma_semaphore, #tpu.memory_space<semaphore_mem>>) src(%dma_wait3A_251 : memref<1000x4096xf32, #tpu.memory_space<hbm>>) dst(%arg6 : memref<8x4096xf32, #tpu.memory_space<vmem>>)
    %add3A_252 = arith.constant 96 : i32
    %add3A_253 = arith.addi %mul3A_2, %add3A_252 : i32
    %dma_start3A_254 = arith.constant 0 : i32
    %dma_start3A_255 = tpu.memref_slice %arg4[%add3A_253, %dma_start3A_254] : memref<4096x4096xf32, #tpu.memory_space<hbm>> -> memref<8x4096xf32, #tpu.memory_space<hbm>>
    %dma_start3A_256 = arith.constant 0 : i32
    %dma_start3A_257 = tpu.memref_slice %arg4[%add3A_253, %dma_start3A_256] : memref<4096x4096xf32, #tpu.memory_space<hbm>> -> memref<8x4096xf32, #tpu.memory_space<hbm>>
    tpu.enqueue_dma source(%arg6 : memref<8x4096xf32, #tpu.memory_space<vmem>>) target(%dma_start3A_257 : memref<8x4096xf32, #tpu.memory_space<hbm>>) target_semaphore(%arg12 : memref<!tpu.dma_semaphore, #tpu.memory_space<semaphore_mem>>)
    %dma_wait3A_258 = arith.constant 0 : i32
    %dma_wait3A_259 = tpu.memref_slice %arg4[%add3A_233, %dma_wait3A_258] : memref<4096x4096xf32, #tpu.memory_space<hbm>> -> memref<8x4096xf32, #tpu.memory_space<hbm>>
    %dma_wait3A_260 = arith.constant 0 : i32
    %dma_wait3A_261 = tpu.memref_slice %arg4[%add3A_233, %dma_wait3A_260] : memref<4096x4096xf32, #tpu.memory_space<hbm>> -> memref<8x4096xf32, #tpu.memory_space<hbm>>
    tpu.wait_dma2 semaphore(%arg14 : memref<!tpu.dma_semaphore, #tpu.memory_space<semaphore_mem>>) src(%arg8 : memref<8x4096xf32, #tpu.memory_space<vmem>>) dst(%dma_wait3A_261 : memref<8x4096xf32, #tpu.memory_space<hbm>>)
    %dma_start3A_262 = arith.constant 112 : i32
    %dma_start3A_263 = tpu.memref_slice %arg5[%dma_start3A_262] : memref<128xi32, #tpu.memory_space<vmem>> -> memref<8xi32, #tpu.memory_space<vmem>>
    %dma_start3A_264 = arith.constant 0 : i32
    %dma_start3A_265 = arith.constant 0 : i32
    %dma_start3A_266 = tpu.memref_slice %arg3[%dma_start3A_264, %dma_start3A_265] : memref<1000x4096xf32, #tpu.memory_space<hbm>> -> memref<1000x4096xf32, #tpu.memory_space<hbm>>
    tpu.enqueue_indirect_dma source(%dma_start3A_266 : memref<1000x4096xf32, #tpu.memory_space<hbm>>) target(%arg8 : memref<8x4096xf32, #tpu.memory_space<vmem>>) offsets(%dma_start3A_263 : memref<8xi32, #tpu.memory_space<vmem>>) semaphore(%arg11 : memref<!tpu.dma_semaphore, #tpu.memory_space<semaphore_mem>>)
    %dma_wait3A_267 = arith.constant 104 : i32
    %dma_wait3A_268 = tpu.memref_slice %arg5[%dma_wait3A_267] : memref<128xi32, #tpu.memory_space<vmem>> -> memref<8xi32, #tpu.memory_space<vmem>>
    %dma_wait3A_269 = arith.constant 0 : i32
    %dma_wait3A_270 = arith.constant 0 : i32
    %dma_wait3A_271 = tpu.memref_slice %arg3[%dma_wait3A_269, %dma_wait3A_270] : memref<1000x4096xf32, #tpu.memory_space<hbm>> -> memref<1000x4096xf32, #tpu.memory_space<hbm>>
    tpu.wait_indirect_dma semaphore(%arg10 : memref<!tpu.dma_semaphore, #tpu.memory_space<semaphore_mem>>) src(%dma_wait3A_271 : memref<1000x4096xf32, #tpu.memory_space<hbm>>) dst(%arg7 : memref<8x4096xf32, #tpu.memory_space<vmem>>)
    %add3A_272 = arith.constant 104 : i32
    %add3A_273 = arith.addi %mul3A_2, %add3A_272 : i32
    %dma_start3A_274 = arith.constant 0 : i32
    %dma_start3A_275 = tpu.memref_slice %arg4[%add3A_273, %dma_start3A_274] : memref<4096x4096xf32, #tpu.memory_space<hbm>> -> memref<8x4096xf32, #tpu.memory_space<hbm>>
    %dma_start3A_276 = arith.constant 0 : i32
    %dma_start3A_277 = tpu.memref_slice %arg4[%add3A_273, %dma_start3A_276] : memref<4096x4096xf32, #tpu.memory_space<hbm>> -> memref<8x4096xf32, #tpu.memory_space<hbm>>
    tpu.enqueue_dma source(%arg7 : memref<8x4096xf32, #tpu.memory_space<vmem>>) target(%dma_start3A_277 : memref<8x4096xf32, #tpu.memory_space<hbm>>) target_semaphore(%arg13 : memref<!tpu.dma_semaphore, #tpu.memory_space<semaphore_mem>>)
    %dma_wait3A_278 = arith.constant 0 : i32
    %dma_wait3A_279 = tpu.memref_slice %arg4[%add3A_253, %dma_wait3A_278] : memref<4096x4096xf32, #tpu.memory_space<hbm>> -> memref<8x4096xf32, #tpu.memory_space<hbm>>
    %dma_wait3A_280 = arith.constant 0 : i32
    %dma_wait3A_281 = tpu.memref_slice %arg4[%add3A_253, %dma_wait3A_280] : memref<4096x4096xf32, #tpu.memory_space<hbm>> -> memref<8x4096xf32, #tpu.memory_space<hbm>>
    tpu.wait_dma2 semaphore(%arg12 : memref<!tpu.dma_semaphore, #tpu.memory_space<semaphore_mem>>) src(%arg6 : memref<8x4096xf32, #tpu.memory_space<vmem>>) dst(%dma_wait3A_281 : memref<8x4096xf32, #tpu.memory_space<hbm>>)
    %dma_start3A_282 = arith.constant 120 : i32
    %dma_start3A_283 = tpu.memref_slice %arg5[%dma_start3A_282] : memref<128xi32, #tpu.memory_space<vmem>> -> memref<8xi32, #tpu.memory_space<vmem>>
    %dma_start3A_284 = arith.constant 0 : i32
    %dma_start3A_285 = arith.constant 0 : i32
    %dma_start3A_286 = tpu.memref_slice %arg3[%dma_start3A_284, %dma_start3A_285] : memref<1000x4096xf32, #tpu.memory_space<hbm>> -> memref<1000x4096xf32, #tpu.memory_space<hbm>>
    tpu.enqueue_indirect_dma source(%dma_start3A_286 : memref<1000x4096xf32, #tpu.memory_space<hbm>>) target(%arg6 : memref<8x4096xf32, #tpu.memory_space<vmem>>) offsets(%dma_start3A_283 : memref<8xi32, #tpu.memory_space<vmem>>) semaphore(%arg9 : memref<!tpu.dma_semaphore, #tpu.memory_space<semaphore_mem>>)
    %dma_wait3A_287 = arith.constant 112 : i32
    %dma_wait3A_288 = tpu.memref_slice %arg5[%dma_wait3A_287] : memref<128xi32, #tpu.memory_space<vmem>> -> memref<8xi32, #tpu.memory_space<vmem>>
    %dma_wait3A_289 = arith.constant 0 : i32
    %dma_wait3A_290 = arith.constant 0 : i32
    %dma_wait3A_291 = tpu.memref_slice %arg3[%dma_wait3A_289, %dma_wait3A_290] : memref<1000x4096xf32, #tpu.memory_space<hbm>> -> memref<1000x4096xf32, #tpu.memory_space<hbm>>
    tpu.wait_indirect_dma semaphore(%arg11 : memref<!tpu.dma_semaphore, #tpu.memory_space<semaphore_mem>>) src(%dma_wait3A_291 : memref<1000x4096xf32, #tpu.memory_space<hbm>>) dst(%arg8 : memref<8x4096xf32, #tpu.memory_space<vmem>>)
    %add3A_292 = arith.constant 112 : i32
    %add3A_293 = arith.addi %mul3A_2, %add3A_292 : i32
    %dma_start3A_294 = arith.constant 0 : i32
    %dma_start3A_295 = tpu.memref_slice %arg4[%add3A_293, %dma_start3A_294] : memref<4096x4096xf32, #tpu.memory_space<hbm>> -> memref<8x4096xf32, #tpu.memory_space<hbm>>
    %dma_start3A_296 = arith.constant 0 : i32
    %dma_start3A_297 = tpu.memref_slice %arg4[%add3A_293, %dma_start3A_296] : memref<4096x4096xf32, #tpu.memory_space<hbm>> -> memref<8x4096xf32, #tpu.memory_space<hbm>>
    tpu.enqueue_dma source(%arg8 : memref<8x4096xf32, #tpu.memory_space<vmem>>) target(%dma_start3A_297 : memref<8x4096xf32, #tpu.memory_space<hbm>>) target_semaphore(%arg14 : memref<!tpu.dma_semaphore, #tpu.memory_space<semaphore_mem>>)
    %dma_wait3A_298 = arith.constant 120 : i32
    %dma_wait3A_299 = tpu.memref_slice %arg5[%dma_wait3A_298] : memref<128xi32, #tpu.memory_space<vmem>> -> memref<8xi32, #tpu.memory_space<vmem>>
    %dma_wait3A_300 = arith.constant 0 : i32
    %dma_wait3A_301 = arith.constant 0 : i32
    %dma_wait3A_302 = tpu.memref_slice %arg3[%dma_wait3A_300, %dma_wait3A_301] : memref<1000x4096xf32, #tpu.memory_space<hbm>> -> memref<1000x4096xf32, #tpu.memory_space<hbm>>
    tpu.wait_indirect_dma semaphore(%arg9 : memref<!tpu.dma_semaphore, #tpu.memory_space<semaphore_mem>>) src(%dma_wait3A_302 : memref<1000x4096xf32, #tpu.memory_space<hbm>>) dst(%arg6 : memref<8x4096xf32, #tpu.memory_space<vmem>>)
    %add3A_303 = arith.constant 120 : i32
    %add3A_304 = arith.addi %mul3A_2, %add3A_303 : i32
    %dma_start3A_305 = arith.constant 0 : i32
    %dma_start3A_306 = tpu.memref_slice %arg4[%add3A_304, %dma_start3A_305] : memref<4096x4096xf32, #tpu.memory_space<hbm>> -> memref<8x4096xf32, #tpu.memory_space<hbm>>
    %dma_start3A_307 = arith.constant 0 : i32
    %dma_start3A_308 = tpu.memref_slice %arg4[%add3A_304, %dma_start3A_307] : memref<4096x4096xf32, #tpu.memory_space<hbm>> -> memref<8x4096xf32, #tpu.memory_space<hbm>>
    tpu.enqueue_dma source(%arg6 : memref<8x4096xf32, #tpu.memory_space<vmem>>) target(%dma_start3A_308 : memref<8x4096xf32, #tpu.memory_space<hbm>>) target_semaphore(%arg12 : memref<!tpu.dma_semaphore, #tpu.memory_space<semaphore_mem>>)
    %dma_wait3A_309 = arith.constant 0 : i32
    %dma_wait3A_310 = tpu.memref_slice %arg4[%add3A_273, %dma_wait3A_309] : memref<4096x4096xf32, #tpu.memory_space<hbm>> -> memref<8x4096xf32, #tpu.memory_space<hbm>>
    %dma_wait3A_311 = arith.constant 0 : i32
    %dma_wait3A_312 = tpu.memref_slice %arg4[%add3A_273, %dma_wait3A_311] : memref<4096x4096xf32, #tpu.memory_space<hbm>> -> memref<8x4096xf32, #tpu.memory_space<hbm>>
    tpu.wait_dma2 semaphore(%arg13 : memref<!tpu.dma_semaphore, #tpu.memory_space<semaphore_mem>>) src(%arg7 : memref<8x4096xf32, #tpu.memory_space<vmem>>) dst(%dma_wait3A_312 : memref<8x4096xf32, #tpu.memory_space<hbm>>)
    %dma_wait3A_313 = arith.constant 0 : i32
    %dma_wait3A_314 = tpu.memref_slice %arg4[%add3A_293, %dma_wait3A_313] : memref<4096x4096xf32, #tpu.memory_space<hbm>> -> memref<8x4096xf32, #tpu.memory_space<hbm>>
    %dma_wait3A_315 = arith.constant 0 : i32
    %dma_wait3A_316 = tpu.memref_slice %arg4[%add3A_293, %dma_wait3A_315] : memref<4096x4096xf32, #tpu.memory_space<hbm>> -> memref<8x4096xf32, #tpu.memory_space<hbm>>
    tpu.wait_dma2 semaphore(%arg14 : memref<!tpu.dma_semaphore, #tpu.memory_space<semaphore_mem>>) src(%arg8 : memref<8x4096xf32, #tpu.memory_space<vmem>>) dst(%dma_wait3A_316 : memref<8x4096xf32, #tpu.memory_space<hbm>>)
    %dma_wait3A_317 = arith.constant 0 : i32
    %dma_wait3A_318 = tpu.memref_slice %arg4[%add3A_304, %dma_wait3A_317] : memref<4096x4096xf32, #tpu.memory_space<hbm>> -> memref<8x4096xf32, #tpu.memory_space<hbm>>
    %dma_wait3A_319 = arith.constant 0 : i32
    %dma_wait3A_320 = tpu.memref_slice %arg4[%add3A_304, %dma_wait3A_319] : memref<4096x4096xf32, #tpu.memory_space<hbm>> -> memref<8x4096xf32, #tpu.memory_space<hbm>>
    tpu.wait_dma2 semaphore(%arg12 : memref<!tpu.dma_semaphore, #tpu.memory_space<semaphore_mem>>) src(%arg6 : memref<8x4096xf32, #tpu.memory_space<vmem>>) dst(%dma_wait3A_320 : memref<8x4096xf32, #tpu.memory_space<hbm>>)
    return
  }
}

</mosaic_0001>

<sc_bundles>
// kernel: kernel.3.cloned.1.call-start
scs
__scs_entry_jumppad:
0x0: {  	(pc) =	sbr.rel $0x88, $3  }
0x1: {  	(tag) =	ssettag $0x0;
	lr =	simm.s32 $0x1  }
0x2: {  	[smem:$0x3F9F] =	sst lr;
	_ =	strace $0xD0000000  }
0x3: {  	_ = 	snop  }
0x4: {  	_ = 	snop  }
0x5: {  	_ = 	snop  }
0x6: {  	_ = 	snop  }
0x7: {  	_ = 	snop  }
__scs_overlays_trampoline_lowered:
0x8: {  	[smem:$0x3FAE] =	sst s0  }
0x9: {  	[smem:$0x3FAF] =	sst s1  }
0xa: {  	[smem:$0x3FB0] =	sst s2  }
0xb: {  	[smem:$0x3FB1] =	sst s3  }
0xc: {  	[smem:$0x3FB2] =	sst s4  }
0xd: {  	[smem:$0x3FB3] =	sst s5  }
0xe: {  	[smem:$0x3FB4] =	sst s6  }
0xf: {  	[smem:$0x3FB5] =	sst s7  }
0x10: {  	[smem:$0x3FB6] =	sst s8  }
0x11: {  	[smem:$0x3FB7] =	sst s9;
	s0 =	simm.s32 @!p0 $0x0  }
0x12: {  	s1 =	sld [smem:$0x3F9D];
	s0 =	simm.s32 @p0 $0x1  }
0x13: {  	[smem:$0x3FB8] =	sst s0;
	s0 =	simm.s32 @!p1 $0x0  }
0x14: {  	s2 =	sld [smem:$0x3F9C];
	s0 =	simm.s32 @p1 $0x1  }
0x15: {  	[smem:$0x3FB9] =	sst s0;
	s0 =	simm.s32 @!p2 $0x0  }
0x16: {  	s3 =	sld [smem:$0x3FDB];
	s0 =	simm.s32 @p2 $0x1  }
0x17: {  	s4 =	simm.s32 $0x1BF5;
	[smem:$0x3FBB] =	sst s0  }
0x18: {  	s0 =	sld [smem:$0x3F9E];
	_ =	swait.ge [sflag:s4], $0x0  }
0x19: {  	s7 =	sld [smem:$0x3F9F]  }
0x1a: {  	s8 =	sadd.s32 $0xFFFFE003, lr  }
0x1b: {  	s9 =	sadd.s32 $0xFFFFFEF7, lr;
	s5 =	simm.s32 $0xFFFFFFFF;
	p2 =	slt.u32 s8, $0xFFFFF086  }
0x1c: {  	p1 =	slt.u32 s9, $0xF7A;
	s5 =	simm.s32 @!p2 $0x0  }
0x1d: {  	s5 =	simm.s32 @p1 $0x1;
	p0 =	seq.s32 s7, s2  }
0x1e: {  	s7 =	smul.u32 @!p0 $0xF7A, s2;
	p2 =	seq.s32 @!p0 s5, $0x0  }
0x1f: {  	s9 =	smul.u32 $0xF7A, s1;
	s8 =	simm.s32 @!p0 $0x1BF5;
	p2 =	por !p2, p0  }
0x20: {  	[sflag:s8] =	ssyncset.s32 @!p0 $0xFFFFF086;
	s6 =	sadd.s32 @!p0 s3, s7;
	s7 =	simm.s32 @!p0 $0x108  }
0x21: {  	s3 =	sadd.s32 s3, s9;
	s6 =	sadd.s32 @!p0 $0x88, s6;
	s7 =	simm.s32 @p2 $0x1082  }
0x22: {  	[simem:s7], [sflag:s8] =	dma.local @!p0 [hbm:s6], $0xF7A  }
0x23: {  	s9 =	sor.u32 $0xD0000000, s2;
	s6 =	simm.s32 $0x108;
	_ =	swait.ge @!p0 [sflag:s8], $0x0  }
0x24: {  	s3 =	sadd.s32 $0x88, s3;
	s6 =	simm.s32 @!p1 $0x1082;
	[sflag:s4] =	ssyncset.s32 $0xFFFFF086  }
0x25: {  	[simem:s6], [sflag:s4] =	dma.local [hbm:s3], $0xF7A  }
0x26: {  	[smem:$0x3F9F] =	sst s1;
	(tag) =	ssettag s2;
	_ =	strace s9  }
0x27: {  	s1 =	sld [smem:$0x3FAF]  }
0x28: {  	s2 =	sld [smem:$0x3FB0]  }
0x29: {  	s4 =	sld [smem:$0x3FB2]  }
0x2a: {  	p0 =	seq.s32 s5, $0x0;
	s5 =	sld [smem:$0x3FB3]  }
0x2b: {  	s6 =	sld [smem:$0x3FB4]  }
0x2c: {  	s7 =	sld [smem:$0x3FB5]  }
0x2d: {  	s3 =	simm.s32 $0x108;
	s8 =	sld [smem:$0x3FB6]  }
0x2e: {  	s3 =	simm.s32 @!p0 $0x1082;
	s9 =	sld [smem:$0x3FB7]  }
0x2f: {  	lr =	sadd.s32 s0, s3;
	s0 =	sld [smem:$0x3FAE]  }
0x30: {  	s3 =	sld [smem:$0x3FB1]  }
0x31: {  	[smem:$0x3FBA] =	sst s10  }
0x32: {  	s10 =	sld [smem:$0x3FB8];
	_ =	sdelay $0x3  }
0x33: {  	p0 =	seq.s32 s10, $0x1;
	s10 =	sld [smem:$0x3FBA];
	_ =	sdelay $0x3  }
0x34: {  	[smem:$0x3FBA] =	sst s10  }
0x35: {  	s10 =	sld [smem:$0x3FB9];
	_ =	sdelay $0x3  }
0x36: {  	p1 =	seq.s32 s10, $0x1;
	s10 =	sld [smem:$0x3FBA];
	_ =	sdelay $0x3  }
0x37: {  	[smem:$0x3FBA] =	sst s10  }
0x38: {  	s10 =	sld [smem:$0x3FBB]  }
0x39: {  	_ = 	snop;
	(pc) =	sbr.ind lr, $3  }
0x3a: {  	_ = 	snop  }
0x3b: {  	_ = 	snop  }
0x3c: {  	p2 =	seq.s32 s10, $0x1;
	s10 =	sld [smem:$0x3FBA]  }
0x3d: {  	_ =	shalt  }
0x3e: {  	_ =	shalt  }
0x3f: {  	_ =	shalt  }
0x40: {  	_ =	shalt  }
0x41: {  	_ =	shalt  }
0x42: {  	_ =	shalt  }
0x43: {  	_ =	shalt  }
0x44: {  	_ =	shalt  }
0x45: {  	_ =	shalt  }
0x46: {  	_ =	shalt  }
0x47: {  	_ =	shalt  }
0x48: {  	_ =	shalt  }
0x49: {  	_ =	shalt  }
0x4a: {  	_ =	shalt  }
0x4b: {  	_ =	shalt  }
0x4c: {  	_ =	shalt  }
0x4d: {  	_ =	shalt  }
0x4e: {  	_ =	shalt  }
0x4f: {  	_ =	shalt  }
0x50: {  	_ =	shalt  }
0x51: {  	_ =	shalt  }
0x52: {  	_ =	shalt  }
0x53: {  	_ =	shalt  }
0x54: {  	_ =	shalt  }
0x55: {  	_ =	shalt  }
0x56: {  	_ =	shalt  }
0x57: {  	_ =	shalt  }
0x58: {  	_ =	shalt  }
0x59: {  	_ =	shalt  }
0x5a: {  	_ =	shalt  }
0x5b: {  	_ =	shalt  }
0x5c: {  	_ =	shalt  }
0x5d: {  	_ =	shalt  }
0x5e: {  	_ =	shalt  }
0x5f: {  	_ =	shalt  }
0x60: {  	_ =	shalt  }
0x61: {  	_ =	shalt  }
0x62: {  	_ =	shalt  }
0x63: {  	_ =	shalt  }
0x64: {  	_ =	shalt  }
0x65: {  	_ =	shalt  }
0x66: {  	_ =	shalt  }
0x67: {  	_ =	shalt  }
0x68: {  	_ =	shalt  }
0x69: {  	_ =	shalt  }
0x6a: {  	_ =	shalt  }
0x6b: {  	_ =	shalt  }
0x6c: {  	_ =	shalt  }
0x6d: {  	_ =	shalt  }
0x6e: {  	_ =	shalt  }
0x6f: {  	_ =	shalt  }
0x70: {  	_ =	shalt  }
0x71: {  	_ =	shalt  }
0x72: {  	_ =	shalt  }
0x73: {  	_ =	shalt  }
0x74: {  	_ =	shalt  }
0x75: {  	_ =	shalt  }
0x76: {  	_ =	shalt  }
0x77: {  	_ =	shalt  }
0x78: {  	_ =	shalt  }
0x79: {  	_ =	shalt  }
0x7a: {  	_ =	shalt  }
0x7b: {  	_ =	shalt  }
0x7c: {  	_ =	shalt  }
0x7d: {  	_ =	shalt  }
0x7e: {  	_ =	shalt  }
0x7f: {  	_ =	shalt  }
0x80: {  	_ =	shalt  }
0x81: {  	_ =	shalt  }
0x82: {  	_ =	shalt  }
0x83: {  	_ =	shalt  }
0x84: {  	_ =	shalt  }
0x85: {  	_ =	shalt  }
0x86: {  	_ =	shalt  }
0x87: {  	_ =	shalt  }
.Lfunc_end0:
.L_simem_size_0:
called_computation_lowered:
.L_overlay_start_0:
0x88: {  	s2 =	sld [smem:$0x3FD9]  }
0x89: {  	s3 =	sld [smem:$0x3FFE];
	_ =	sdelay $0x1  }
0x8a: {  	s1 =	srdreg.scid  }
0x8b: {  	s0 =	sand.u32 $0x1, s1  }
0x8c: {  	s17 =	sshll.u32 s0, $0xA;
	s2 =	sadd.s32 s3, s2  }
0x8d: {  	s2 =	sadd.s32 s2, s17  }
0x8e: {  	[smem:$0x3FC6] =	sst s2  }
0x8f: {  	_ = 	snop  }
0x90: {  	s2 =	sld [smem:$0x3FC9]  }
0x91: {  	s18 =	sld [smem:$0x3FD0];
	(tm) =	ssettm $0x1  }
0x92: {  	s4 =	sld [smem:$0x3FFB];
	_ =	sdelay $0x3  }
0x93: {  	_ =	strace s4  }
0x94: {  	s4 =	sld [smem:$0x3FFC];
	_ =	sdelay $0x3  }
0x95: {  	_ =	strace s4  }
0x96: {  	s4 =	sld [smem:$0x3FFD];
	_ =	sdelay $0x3  }
0x97: {  	_ =	strace s4  }
0x98: {  	_ =	strace $0x8FFFFFFF  }
0x99: {  	s19 =	sld [smem:$0x3FDB];
	_ =	sdelay $0x1  }
0x9a: {  	s5 =	simm.s32 $_scs_section_size  }
0x9b: {  	s6 =	simm.s32 $_size__tile_overlayer_lowered;
	s7 =	simm.s32 $_tile_overlayer_lowered  }
0x9c: {  	s22 =	simm.s32 $0x1BFF;
	s21 =	sshll.u32 s7, $0x1;
	s4 =	sadd.s32 s5, s19  }
0x9d: {  	s8 =	simm.s32 $0x0;
	s20 =	sshll.u32 s6, $0x1;
	s6 =	sadd.s32 s21, s4  }
0x9e: {  	[timem:s8], [sflag:s22] =	dma.local [hbm:s6], s20  }
0x9f: {  	_ =	swait.ge [sflag:s22], s20  }
0xa0: {  	s5 =	ssub.s32 $0x0, s20;
	[sflag:s22] =	ssyncset.done $0x0  }
0xa1: {  	[sflag:s22] =	ssyncadd.s32 s5;
	_ =	sdelay $0x1  }
0xa2: {  	s23 =	simm.s32 $0x1B8B  }
0xa3: {  	_ =	swait.ge [sflag:s23], $0x1  }
0xa4: {  	[sflag:s23] =	ssyncset.done $0x0  }
0xa5: {  	s25 =	simm.s32 $0x1B8E;
	s24 =	sld [smem:$0x3FFE];
	[sflag:s23] =	ssyncadd.s32 $0xFFFFFFFF  }
0xa6: {  	s26 =	simm.s32 $execute0_lowered;
	[smem:$0x3FD2] =	sst s25  }
0xa7: {  	s6 =	sshll.u32 s26, $0x1;
	_ =	strace $0x80000046;
	[dreg:$0x1] =	wrdreg $0xFFFFFFFF  }
0xa8: {  	s28 =	simm.s32 $_size_execute0_lowered;
	s4 =	sadd.s32 s4, s6;
	[dreg:$0x0] =	wrdreg $0x0  }
0xa9: {  	s6 =	sshll.u32 s28, $0x1;
	[dreg:$0x2] =	wrdreg s4  }
0xaa: {  	[dreg:$0x3] =	wrdreg s6  }
0xab: {  	[dreg:$0x4] =	wrdreg $0xC0  }
0xac: {  	_ =	task [dreg:s8], $0x5FFFF  }
0xad: {  	[dreg:$0x1] =	wrdreg $0xFFFFFFFF  }
0xae: {  	[dreg:$0x0] =	wrdreg $0x60  }
0xaf: {  	[dreg:$0x2] =	wrdreg s2  }
0xb0: {  	[dreg:$0x3] =	wrdreg s18  }
0xb1: {  	[dreg:$0x4] =	wrdreg s24  }
0xb2: {  	[dreg:$0x5] =	wrdreg $0x9  }
0xb3: {  	_ =	task.clear_ibuf [dreg:s8], $0x6FFFF;
	_ =	strace $0x90000046  }
0xb4: {  	s29 =	simm.s32 $0x9;
	_ =	strace $0x80000048  }
0xb5: {  	_ =	swait.ge [sflag:s29], $0x1  }
0xb6: {  	[sflag:s29] =	ssyncadd.s32 $0xFFFFFFFF  }
0xb7: {  	_ =	strace $0x90000048  }
0xb8: {  	_ =	sfence  }
0xb9: {  	s30 =	sld [smem:$0x0];
	_ =	sdelay $0x2  }
0xba: {  	s31 =	sshll.u32 s1, $0xD;
	s1 =	sshrl.u32 s1, $0x2  }
0xbb: {  	s3 =	sand.u32 $0x4000, s31;
	s1 =	sadd.s32 s1, s30  }
0xbc: {  	s0 =	sor.u32 s3, s0;
	s1 =	sshll.u32 s1, $0x11  }
0xbd: {  	s0 =	sor.u32 s1, s0  }
0xbe: {  	s0 =	sadd.s32 $0x8F2B, s0  }
0xbf: {  	[sflag:s0] =	ssyncadd.remote.s32 $0x1  }
0xc0: {  	_ =	sfence.sel $0xFFFF  }
0xc1: {  	[dreg:$0x0] =	wrdreg $0xFFFFFFFF;
	(pc) =	sbr.abs _section_cstart, $3  }
0xc2: {  	[dreg:$0x1] =	wrdreg $0xFFFFFFFF  }
0xc3: {  	_ =	task.clear_ibuf [dreg:s8], $0x2FFFF;
	_ =	strace $0x9FFFFFFF  }
0xc4: {  	(tm) =	ssettm $0x7FFFFFFF  }
0xc5: {  	_ =	shalt  }
tec
execute0_lowered:
.L_overlay_start_1:
0x0: {  	(tag) =	ssettag $0x1  }
0x1: {  	s0 =	rddreg [dreg:$0x0]  }
0x2: {  	s1 =	rddreg [dreg:$0x1]  }
0x3: {  	s2 =	rddreg [dreg:$0x2];
	s4 =	srdreg.scid;
	s3 =	simm.s32 $0x0  }
0x4: {  	s5 =	stileid.u32;
	s29 =	simm.s32 $0x2;
	s30 =	simm.s32 $0x4  }
0x5: {  	s31 =	simm.s32 $0x3;
	s28 =	simm.s32 $0x8080;
	s4 =	sand.u32 $0x1, s4  }
0x6: {  	[smem:$0x7FF] =	sst s3;
	s5 =	sshll.u32 s5, $0x8;
	s6 =	sshll.u32 s4, $0x7  }
0x7: {  	s7 =	sadd.s32 $0x400, s1;
	s8 =	sadd.s32 $0x500, s1;
	s5 =	sor.u32 s6, s5  }
0x8: {  	_ =	strace $0x80000047;
	s6 =	sshll.u32 s5, $0x9;
	s5 =	sshrl.u32 s5, $0x3  }
0x9: {  	s4 =	ssub.s32 $0x2, s4;
	s2 =	sadd.s32 s6, s2;
	s0 =	sadd.s32 s0, s5  }
0xa: {  	s9 =	sshrl.u32 s4, $0x1;
	[dreg:$0x4] =	wrdreg s0;
	s10 =	sadd.s32 $0x400, s2  }
0xb: {  	s19 =	ssub.s32 s4, s9;
	s11 =	sadd.s32 $0x1400, s2;
	[dreg:$0x5] =	wrdreg s10  }
0xc: {  	s4 =	sadd.s32 $0x100, s1;
	s12 =	sadd.s32 $0x2400, s2;
	[dreg:$0x6] =	wrdreg s11  }
0xd: {  	s9 =	sadd.s32 $0x600, s1;
	s13 =	sadd.s32 $0x3400, s2;
	[dreg:$0x7] =	wrdreg s12  }
0xe: {  	s5 =	sadd.s32 $0x200, s1;
	s14 =	sadd.s32 $0x4400, s2;
	[dreg:$0x8] =	wrdreg s13  }
0xf: {  	s6 =	sadd.s32 $0x300, s1;
	s15 =	sadd.s32 $0x5400, s2;
	[dreg:$0x9] =	wrdreg s14  }
0x10: {  	s19 =	smax.u32 s19, $0x1;
	s16 =	sadd.s32 $0x6400, s2;
	[dreg:$0xa] =	wrdreg s15  }
0x11: {  	s17 =	sadd.s32 $0x7400, s2;
	s18 =	sadd.s32 $0x8400, s2;
	[dreg:$0xb] =	wrdreg s16  }
0x12: {  	s20 =	sadd.s32 $0x9400, s2;
	s21 =	sadd.s32 $0xA400, s2;
	[dreg:$0xc] =	wrdreg s17  }
0x13: {  	s22 =	sadd.s32 $0xB400, s2;
	s23 =	sadd.s32 $0xC400, s2;
	[dreg:$0xd] =	wrdreg s18  }
0x14: {  	s24 =	sadd.s32 $0xD400, s2;
	s25 =	sadd.s32 $0xE400, s2;
	[dreg:$0xe] =	wrdreg s20  }
0x15: {  	s26 =	sadd.s32 $0xF400, s2;
	s0 =	simm.s32 $0x5;
	[dreg:$0xf] =	wrdreg s21  }
0x16: {  	s2 =	simm.s32 $0x6;
	s10 =	sadd.s32 $0x700, s1;
	[dreg:$0x10] =	wrdreg s22  }
0x17: {  	s11 =	sadd.s32 $0x800, s1;
	s12 =	sadd.s32 $0x900, s1;
	[dreg:$0x11] =	wrdreg s23  }
0x18: {  	s13 =	sadd.s32 $0xA00, s1;
	s14 =	sadd.s32 $0xB00, s1;
	[dreg:$0x12] =	wrdreg s24  }
0x19: {  	v0 =	vlaneseq.u32;
	s15 =	sadd.s32 $0xC00, s1;
	s16 =	sadd.s32 $0xD00, s1;
	[dreg:$0x13] =	wrdreg s25  }
0x1a: {  	v1 =	vshrl.u32 v0, $0x3;
	s17 =	sadd.s32 $0xE00, s1;
	s18 =	sadd.s32 $0xF00, s1;
	[dreg:$0x14] =	wrdreg s26  }
0x1b: {  	vm0 =	vmmov $0xffff;
	v0 =	vand.u32 $0x7, v0;
	v1 =	vmul.u32 $0x8, v1;
	s22 =	simm.s32 $0x80;
	s26 =	simm.s32 $0x1;
	s21 =	simm.s32 $0x10080  }
.LBB2_1:
0x1c: {  	s20 =	rddreg [dreg:$0x4];
	s24 =	simm.s32 $0x7  }
0x1d: {  	[tilespmem:s3], [sflag:$0x7] =	stream.linear.gather [hbm4b:s20+s3], $0x80, $0x38;
	[tilespmem:$0x18080] =	vst v63  }
0x1e: {  	_ =	swait.ge [sflag:s24], $0x80  }
0x1f: {  	[sflag:s24] =	ssyncset.done $0x0  }
0x20: {  	[sflag:s24] =	ssyncadd.s32 $0xFFFFFF80  }
0x21: {  	v2 =	vld.msk [tilespmem:$0x0], $0xff;
	_ =	sdelay $0x4  }
0x22: {  	v3 =	vshll.u32 v2, $0x5  }
0x23: {  	v2 =	vand.u32 $0x7, v2;
	v3 =	vand.u32 $0xFFFFFF00, v3  }
0x24: {  	v2 =	vor.u32 v2, v3  }
0x25: {  	v2 =	vperm.xlane v2, v0;
	_ =	sdelay $0x1  }
0x26: {  	v2 =	vadd.s32 v1, v2;
	_ =	sdelay $0x4  }
0x27: {  	[tilespmem:s22], [sflag:$0x1] =	stream.indirect_vreg.gather [hbm4b:s1+s3], $0x80, v2, vm0, $0xb8;
	[tilespmem:$0x18080] =	vst v63  }
0x28: {  	s25 =	simm.s32 $0x880  }
0x29: {  	[tilespmem:s25], [sflag:$0x1] =	stream.indirect_vreg.gather [hbm4b:s4+s3], $0x80, v2, vm0, $0xb8;
	[tilespmem:$0x18080] =	vst v63  }
0x2a: {  	s23 =	simm.s32 $0x1080  }
0x2b: {  	[tilespmem:s23], [sflag:$0x1] =	stream.indirect_vreg.gather [hbm4b:s5+s3], $0x80, v2, vm0, $0xb8;
	[tilespmem:$0x18080] =	vst v63  }
0x2c: {  	s24 =	simm.s32 $0x1880  }
0x2d: {  	[tilespmem:s24], [sflag:$0x1] =	stream.indirect_vreg.gather [hbm4b:s6+s3], $0x80, v2, vm0, $0xb8;
	[tilespmem:$0x18080] =	vst v63  }
0x2e: {  	s25 =	simm.s32 $0x2080  }
0x2f: {  	[tilespmem:s25], [sflag:$0x1] =	stream.indirect_vreg.gather [hbm4b:s7+s3], $0x80, v2, vm0, $0xb8;
	[tilespmem:$0x18080] =	vst v63  }
0x30: {  	s23 =	simm.s32 $0x2880  }
0x31: {  	[tilespmem:s23], [sflag:$0x1] =	stream.indirect_vreg.gather [hbm4b:s8+s3], $0x80, v2, vm0, $0xb8;
	[tilespmem:$0x18080] =	vst v63  }
0x32: {  	s23 =	simm.s32 $0x3080  }
0x33: {  	[tilespmem:s23], [sflag:$0x1] =	stream.indirect_vreg.gather [hbm4b:s9+s3], $0x80, v2, vm0, $0xb8;
	[tilespmem:$0x18080] =	vst v63  }
0x34: {  	s23 =	simm.s32 $0x3880  }
0x35: {  	[tilespmem:s23], [sflag:$0x1] =	stream.indirect_vreg.gather [hbm4b:s10+s3], $0x80, v2, vm0, $0xb8;
	[tilespmem:$0x18080] =	vst v63  }
0x36: {  	s23 =	simm.s32 $0x4080  }
0x37: {  	[tilespmem:s23], [sflag:$0x1] =	stream.indirect_vreg.gather [hbm4b:s11+s3], $0x80, v2, vm0, $0xb8;
	[tilespmem:$0x18080] =	vst v63  }
0x38: {  	s23 =	simm.s32 $0x4880  }
0x39: {  	[tilespmem:s23], [sflag:$0x1] =	stream.indirect_vreg.gather [hbm4b:s12+s3], $0x80, v2, vm0, $0xb8;
	[tilespmem:$0x18080] =	vst v63  }
0x3a: {  	s23 =	simm.s32 $0x5080  }
0x3b: {  	[tilespmem:s23], [sflag:$0x1] =	stream.indirect_vreg.gather [hbm4b:s13+s3], $0x80, v2, vm0, $0xb8;
	[tilespmem:$0x18080] =	vst v63  }
0x3c: {  	s23 =	simm.s32 $0x5880  }
0x3d: {  	[tilespmem:s23], [sflag:$0x1] =	stream.indirect_vreg.gather [hbm4b:s14+s3], $0x80, v2, vm0, $0xb8;
	[tilespmem:$0x18080] =	vst v63  }
0x3e: {  	s23 =	simm.s32 $0x6080  }
0x3f: {  	[tilespmem:s23], [sflag:$0x1] =	stream.indirect_vreg.gather [hbm4b:s15+s3], $0x80, v2, vm0, $0xb8;
	[tilespmem:$0x18080] =	vst v63  }
0x40: {  	s23 =	simm.s32 $0x6880  }
0x41: {  	[tilespmem:s23], [sflag:$0x1] =	stream.indirect_vreg.gather [hbm4b:s16+s3], $0x80, v2, vm0, $0xb8;
	[tilespmem:$0x18080] =	vst v63  }
0x42: {  	s23 =	simm.s32 $0x7080  }
0x43: {  	[tilespmem:s23], [sflag:$0x1] =	stream.indirect_vreg.gather [hbm4b:s17+s3], $0x80, v2, vm0, $0xb8;
	[tilespmem:$0x18080] =	vst v63  }
0x44: {  	s23 =	simm.s32 $0x7880  }
0x45: {  	[tilespmem:s23], [sflag:$0x1] =	stream.indirect_vreg.gather [hbm4b:s18+s3], $0x80, v2, vm0, $0xb8;
	[tilespmem:$0x18080] =	vst v63  }
0x46: {  	v2 =	vld.msk [tilespmem:$0x8], $0xff;
	_ =	sdelay $0x4  }
0x47: {  	v3 =	vshll.u32 v2, $0x5  }
0x48: {  	v2 =	vand.u32 $0x7, v2;
	v3 =	vand.u32 $0xFFFFFF00, v3  }
0x49: {  	v2 =	vor.u32 v2, v3  }
0x4a: {  	v2 =	vperm.xlane v2, v0;
	_ =	sdelay $0x1  }
0x4b: {  	v2 =	vadd.s32 v1, v2;
	_ =	sdelay $0x4  }
0x4c: {  	[tilespmem:s28], [sflag:$0x2] =	stream.indirect_vreg.gather [hbm4b:s1+s3], $0x80, v2, vm0, $0xb8;
	[tilespmem:$0x18080] =	vst v63  }
0x4d: {  	s20 =	simm.s32 $0x8880  }
0x4e: {  	[tilespmem:s20], [sflag:$0x2] =	stream.indirect_vreg.gather [hbm4b:s4+s3], $0x80, v2, vm0, $0xb8;
	[tilespmem:$0x18080] =	vst v63  }
0x4f: {  	s20 =	simm.s32 $0x9080  }
0x50: {  	[tilespmem:s20], [sflag:$0x2] =	stream.indirect_vreg.gather [hbm4b:s5+s3], $0x80, v2, vm0, $0xb8;
	[tilespmem:$0x18080] =	vst v63  }
0x51: {  	s20 =	simm.s32 $0x9880  }
0x52: {  	[tilespmem:s20], [sflag:$0x2] =	stream.indirect_vreg.gather [hbm4b:s6+s3], $0x80, v2, vm0, $0xb8;
	[tilespmem:$0x18080] =	vst v63  }
0x53: {  	s20 =	simm.s32 $0xA080  }
0x54: {  	[tilespmem:s20], [sflag:$0x2] =	stream.indirect_vreg.gather [hbm4b:s7+s3], $0x80, v2, vm0, $0xb8;
	[tilespmem:$0x18080] =	vst v63  }
0x55: {  	s20 =	simm.s32 $0xA880  }
0x56: {  	[tilespmem:s20], [sflag:$0x2] =	stream.indirect_vreg.gather [hbm4b:s8+s3], $0x80, v2, vm0, $0xb8;
	[tilespmem:$0x18080] =	vst v63  }
0x57: {  	s20 =	simm.s32 $0xB080  }
0x58: {  	[tilespmem:s20], [sflag:$0x2] =	stream.indirect_vreg.gather [hbm4b:s9+s3], $0x80, v2, vm0, $0xb8;
	[tilespmem:$0x18080] =	vst v63  }
0x59: {  	s20 =	simm.s32 $0xB880  }
0x5a: {  	[tilespmem:s20], [sflag:$0x2] =	stream.indirect_vreg.gather [hbm4b:s10+s3], $0x80, v2, vm0, $0xb8;
	[tilespmem:$0x18080] =	vst v63  }
0x5b: {  	s20 =	simm.s32 $0xC080  }
0x5c: {  	[tilespmem:s20], [sflag:$0x2] =	stream.indirect_vreg.gather [hbm4b:s11+s3], $0x80, v2, vm0, $0xb8;
	[tilespmem:$0x18080] =	vst v63  }
0x5d: {  	s20 =	simm.s32 $0xC880  }
0x5e: {  	[tilespmem:s20], [sflag:$0x2] =	stream.indirect_vreg.gather [hbm4b:s12+s3], $0x80, v2, vm0, $0xb8;
	[tilespmem:$0x18080] =	vst v63  }
0x5f: {  	s20 =	simm.s32 $0xD080  }
0x60: {  	[tilespmem:s20], [sflag:$0x2] =	stream.indirect_vreg.gather [hbm4b:s13+s3], $0x80, v2, vm0, $0xb8;
	[tilespmem:$0x18080] =	vst v63  }
0x61: {  	s20 =	simm.s32 $0xD880  }
0x62: {  	[tilespmem:s20], [sflag:$0x2] =	stream.indirect_vreg.gather [hbm4b:s14+s3], $0x80, v2, vm0, $0xb8;
	[tilespmem:$0x18080] =	vst v63  }
0x63: {  	s20 =	simm.s32 $0xE080  }
0x64: {  	[tilespmem:s20], [sflag:$0x2] =	stream.indirect_vreg.gather [hbm4b:s15+s3], $0x80, v2, vm0, $0xb8;
	[tilespmem:$0x18080] =	vst v63  }
0x65: {  	s20 =	simm.s32 $0xE880  }
0x66: {  	[tilespmem:s20], [sflag:$0x2] =	stream.indirect_vreg.gather [hbm4b:s16+s3], $0x80, v2, vm0, $0xb8;
	[tilespmem:$0x18080] =	vst v63  }
0x67: {  	s20 =	simm.s32 $0xF080  }
0x68: {  	[tilespmem:s20], [sflag:$0x2] =	stream.indirect_vreg.gather [hbm4b:s17+s3], $0x80, v2, vm0, $0xb8;
	[tilespmem:$0x18080] =	vst v63  }
0x69: {  	s20 =	simm.s32 $0xF880  }
0x6a: {  	[tilespmem:s20], [sflag:$0x2] =	stream.indirect_vreg.gather [hbm4b:s18+s3], $0x80, v2, vm0, $0xb8;
	[tilespmem:$0x18080] =	vst v63  }
0x6b: {  	_ =	swait.ge [sflag:s26], $0x8000  }
0x6c: {  	[sflag:s26] =	ssyncset.done $0x0  }
0x6d: {  	s20 =	rddreg [dreg:$0x5];
	[sflag:s26] =	ssyncadd.s32 $0xFFFF8000  }
0x6e: {  	[hbm4b:s20+s3] =	stream.linear.scatter [tilespmem:s22], [sflag:$0x4], $0x8000, $0x38;
	[tilespmem:$0x18080] =	vst v63  }
0x6f: {  	v2 =	vld.msk [tilespmem:$0x10], $0xff;
	_ =	sdelay $0x4  }
0x70: {  	v3 =	vshll.u32 v2, $0x5  }
0x71: {  	v2 =	vand.u32 $0x7, v2;
	v3 =	vand.u32 $0xFFFFFF00, v3  }
0x72: {  	v2 =	vor.u32 v2, v3  }
0x73: {  	v2 =	vperm.xlane v2, v0;
	_ =	sdelay $0x1  }
0x74: {  	v2 =	vadd.s32 v1, v2;
	_ =	sdelay $0x4  }
0x75: {  	[tilespmem:s21], [sflag:$0x3] =	stream.indirect_vreg.gather [hbm4b:s1+s3], $0x80, v2, vm0, $0xb8;
	[tilespmem:$0x18080] =	vst v63  }
0x76: {  	s20 =	simm.s32 $0x10880  }
0x77: {  	[tilespmem:s20], [sflag:$0x3] =	stream.indirect_vreg.gather [hbm4b:s4+s3], $0x80, v2, vm0, $0xb8;
	[tilespmem:$0x18080] =	vst v63  }
0x78: {  	s20 =	simm.s32 $0x11080  }
0x79: {  	[tilespmem:s20], [sflag:$0x3] =	stream.indirect_vreg.gather [hbm4b:s5+s3], $0x80, v2, vm0, $0xb8;
	[tilespmem:$0x18080] =	vst v63  }
0x7a: {  	s20 =	simm.s32 $0x11880  }
0x7b: {  	[tilespmem:s20], [sflag:$0x3] =	stream.indirect_vreg.gather [hbm4b:s6+s3], $0x80, v2, vm0, $0xb8;
	[tilespmem:$0x18080] =	vst v63  }
0x7c: {  	s20 =	simm.s32 $0x12080  }
0x7d: {  	[tilespmem:s20], [sflag:$0x3] =	stream.indirect_vreg.gather [hbm4b:s7+s3], $0x80, v2, vm0, $0xb8;
	[tilespmem:$0x18080] =	vst v63  }
0x7e: {  	s20 =	simm.s32 $0x12880  }
0x7f: {  	[tilespmem:s20], [sflag:$0x3] =	stream.indirect_vreg.gather [hbm4b:s8+s3], $0x80, v2, vm0, $0xb8;
	[tilespmem:$0x18080] =	vst v63  }
0x80: {  	s20 =	simm.s32 $0x13080  }
0x81: {  	[tilespmem:s20], [sflag:$0x3] =	stream.indirect_vreg.gather [hbm4b:s9+s3], $0x80, v2, vm0, $0xb8;
	[tilespmem:$0x18080] =	vst v63  }
0x82: {  	s20 =	simm.s32 $0x13880  }
0x83: {  	[tilespmem:s20], [sflag:$0x3] =	stream.indirect_vreg.gather [hbm4b:s10+s3], $0x80, v2, vm0, $0xb8;
	[tilespmem:$0x18080] =	vst v63  }
0x84: {  	s20 =	simm.s32 $0x14080  }
0x85: {  	[tilespmem:s20], [sflag:$0x3] =	stream.indirect_vreg.gather [hbm4b:s11+s3], $0x80, v2, vm0, $0xb8;
	[tilespmem:$0x18080] =	vst v63  }
0x86: {  	s20 =	simm.s32 $0x14880  }
0x87: {  	[tilespmem:s20], [sflag:$0x3] =	stream.indirect_vreg.gather [hbm4b:s12+s3], $0x80, v2, vm0, $0xb8;
	[tilespmem:$0x18080] =	vst v63  }
0x88: {  	s20 =	simm.s32 $0x15080  }
0x89: {  	[tilespmem:s20], [sflag:$0x3] =	stream.indirect_vreg.gather [hbm4b:s13+s3], $0x80, v2, vm0, $0xb8;
	[tilespmem:$0x18080] =	vst v63  }
0x8a: {  	s20 =	simm.s32 $0x15880  }
0x8b: {  	[tilespmem:s20], [sflag:$0x3] =	stream.indirect_vreg.gather [hbm4b:s14+s3], $0x80, v2, vm0, $0xb8;
	[tilespmem:$0x18080] =	vst v63  }
0x8c: {  	s20 =	simm.s32 $0x16080  }
0x8d: {  	[tilespmem:s20], [sflag:$0x3] =	stream.indirect_vreg.gather [hbm4b:s15+s3], $0x80, v2, vm0, $0xb8;
	[tilespmem:$0x18080] =	vst v63  }
0x8e: {  	s20 =	simm.s32 $0x16880  }
0x8f: {  	[tilespmem:s20], [sflag:$0x3] =	stream.indirect_vreg.gather [hbm4b:s16+s3], $0x80, v2, vm0, $0xb8;
	[tilespmem:$0x18080] =	vst v63  }
0x90: {  	s20 =	simm.s32 $0x17080  }
0x91: {  	[tilespmem:s20], [sflag:$0x3] =	stream.indirect_vreg.gather [hbm4b:s17+s3], $0x80, v2, vm0, $0xb8;
	[tilespmem:$0x18080] =	vst v63  }
0x92: {  	s20 =	simm.s32 $0x17880  }
0x93: {  	[tilespmem:s20], [sflag:$0x3] =	stream.indirect_vreg.gather [hbm4b:s18+s3], $0x80, v2, vm0, $0xb8;
	[tilespmem:$0x18080] =	vst v63  }
0x94: {  	_ =	swait.ge [sflag:s29], $0x8000  }
0x95: {  	[sflag:s29] =	ssyncset.done $0x0  }
0x96: {  	s20 =	rddreg [dreg:$0x6];
	[sflag:s29] =	ssyncadd.s32 $0xFFFF8000  }
0x97: {  	[hbm4b:s20+s3] =	stream.linear.scatter [tilespmem:s28], [sflag:$0x5], $0x8000, $0x38;
	[tilespmem:$0x18080] =	vst v63  }
0x98: {  	_ =	swait.ge [sflag:s30], $0x8000  }
0x99: {  	[sflag:s30] =	ssyncset.done $0x0  }
0x9a: {  	[sflag:s30] =	ssyncadd.s32 $0xFFFF8000  }
0x9b: {  	v2 =	vld.msk [tilespmem:$0x18], $0xff;
	_ =	sdelay $0x4  }
0x9c: {  	v3 =	vshll.u32 v2, $0x5  }
0x9d: {  	v2 =	vand.u32 $0x7, v2;
	v3 =	vand.u32 $0xFFFFFF00, v3  }
0x9e: {  	v2 =	vor.u32 v2, v3  }
0x9f: {  	v2 =	vperm.xlane v2, v0;
	_ =	sdelay $0x1  }
0xa0: {  	v2 =	vadd.s32 v1, v2;
	_ =	sdelay $0x4  }
0xa1: {  	[tilespmem:s22], [sflag:$0x1] =	stream.indirect_vreg.gather [hbm4b:s1+s3], $0x80, v2, vm0, $0xb8;
	[tilespmem:$0x18080] =	vst v63  }
0xa2: {  	s20 =	simm.s32 $0x880  }
0xa3: {  	[tilespmem:s20], [sflag:$0x1] =	stream.indirect_vreg.gather [hbm4b:s4+s3], $0x80, v2, vm0, $0xb8;
	[tilespmem:$0x18080] =	vst v63  }
0xa4: {  	s20 =	simm.s32 $0x1080  }
0xa5: {  	[tilespmem:s20], [sflag:$0x1] =	stream.indirect_vreg.gather [hbm4b:s5+s3], $0x80, v2, vm0, $0xb8;
	[tilespmem:$0x18080] =	vst v63  }
0xa6: {  	s24 =	simm.s32 $0x1880  }
0xa7: {  	[tilespmem:s24], [sflag:$0x1] =	stream.indirect_vreg.gather [hbm4b:s6+s3], $0x80, v2, vm0, $0xb8;
	[tilespmem:$0x18080] =	vst v63  }
0xa8: {  	s25 =	simm.s32 $0x2080  }
0xa9: {  	[tilespmem:s25], [sflag:$0x1] =	stream.indirect_vreg.gather [hbm4b:s7+s3], $0x80, v2, vm0, $0xb8;
	[tilespmem:$0x18080] =	vst v63  }
0xaa: {  	s20 =	simm.s32 $0x2880  }
0xab: {  	[tilespmem:s20], [sflag:$0x1] =	stream.indirect_vreg.gather [hbm4b:s8+s3], $0x80, v2, vm0, $0xb8;
	[tilespmem:$0x18080] =	vst v63  }
0xac: {  	s20 =	simm.s32 $0x3080  }
0xad: {  	[tilespmem:s20], [sflag:$0x1] =	stream.indirect_vreg.gather [hbm4b:s9+s3], $0x80, v2, vm0, $0xb8;
	[tilespmem:$0x18080] =	vst v63  }
0xae: {  	s20 =	simm.s32 $0x3880  }
0xaf: {  	[tilespmem:s20], [sflag:$0x1] =	stream.indirect_vreg.gather [hbm4b:s10+s3], $0x80, v2, vm0, $0xb8;
	[tilespmem:$0x18080] =	vst v63  }
0xb0: {  	s20 =	simm.s32 $0x4080  }
0xb1: {  	[tilespmem:s20], [sflag:$0x1] =	stream.indirect_vreg.gather [hbm4b:s11+s3], $0x80, v2, vm0, $0xb8;
	[tilespmem:$0x18080] =	vst v63  }
0xb2: {  	s20 =	simm.s32 $0x4880  }
0xb3: {  	[tilespmem:s20], [sflag:$0x1] =	stream.indirect_vreg.gather [hbm4b:s12+s3], $0x80, v2, vm0, $0xb8;
	[tilespmem:$0x18080] =	vst v63  }
0xb4: {  	s20 =	simm.s32 $0x5080  }
0xb5: {  	[tilespmem:s20], [sflag:$0x1] =	stream.indirect_vreg.gather [hbm4b:s13+s3], $0x80, v2, vm0, $0xb8;
	[tilespmem:$0x18080] =	vst v63  }
0xb6: {  	s20 =	simm.s32 $0x5880  }
0xb7: {  	[tilespmem:s20], [sflag:$0x1] =	stream.indirect_vreg.gather [hbm4b:s14+s3], $0x80, v2, vm0, $0xb8;
	[tilespmem:$0x18080] =	vst v63  }
0xb8: {  	s20 =	simm.s32 $0x6080  }
0xb9: {  	[tilespmem:s20], [sflag:$0x1] =	stream.indirect_vreg.gather [hbm4b:s15+s3], $0x80, v2, vm0, $0xb8;
	[tilespmem:$0x18080] =	vst v63  }
0xba: {  	s20 =	simm.s32 $0x6880  }
0xbb: {  	[tilespmem:s20], [sflag:$0x1] =	stream.indirect_vreg.gather [hbm4b:s16+s3], $0x80, v2, vm0, $0xb8;
	[tilespmem:$0x18080] =	vst v63  }
0xbc: {  	s20 =	simm.s32 $0x7080  }
0xbd: {  	[tilespmem:s20], [sflag:$0x1] =	stream.indirect_vreg.gather [hbm4b:s17+s3], $0x80, v2, vm0, $0xb8;
	[tilespmem:$0x18080] =	vst v63  }
0xbe: {  	s23 =	simm.s32 $0x7880  }
0xbf: {  	[tilespmem:s23], [sflag:$0x1] =	stream.indirect_vreg.gather [hbm4b:s18+s3], $0x80, v2, vm0, $0xb8;
	[tilespmem:$0x18080] =	vst v63  }
0xc0: {  	_ =	swait.ge [sflag:s31], $0x8000  }
0xc1: {  	[sflag:s31] =	ssyncset.done $0x0  }
0xc2: {  	s20 =	rddreg [dreg:$0x7];
	[sflag:s31] =	ssyncadd.s32 $0xFFFF8000  }
0xc3: {  	[hbm4b:s20+s3] =	stream.linear.scatter [tilespmem:s21], [sflag:$0x6], $0x8000, $0x38;
	[tilespmem:$0x18080] =	vst v63  }
0xc4: {  	_ =	swait.ge [sflag:s0], $0x8000  }
0xc5: {  	[sflag:s0] =	ssyncset.done $0x0  }
0xc6: {  	[sflag:s0] =	ssyncadd.s32 $0xFFFF8000  }
0xc7: {  	v2 =	vld.msk [tilespmem:$0x20], $0xff;
	_ =	sdelay $0x4  }
0xc8: {  	v3 =	vshll.u32 v2, $0x5  }
0xc9: {  	v2 =	vand.u32 $0x7, v2;
	v3 =	vand.u32 $0xFFFFFF00, v3  }
0xca: {  	v2 =	vor.u32 v2, v3  }
0xcb: {  	v2 =	vperm.xlane v2, v0;
	_ =	sdelay $0x1  }
0xcc: {  	v2 =	vadd.s32 v1, v2;
	_ =	sdelay $0x4  }
0xcd: {  	[tilespmem:s28], [sflag:$0x2] =	stream.indirect_vreg.gather [hbm4b:s1+s3], $0x80, v2, vm0, $0xb8;
	[tilespmem:$0x18080] =	vst v63  }
0xce: {  	s20 =	simm.s32 $0x8880  }
0xcf: {  	[tilespmem:s20], [sflag:$0x2] =	stream.indirect_vreg.gather [hbm4b:s4+s3], $0x80, v2, vm0, $0xb8;
	[tilespmem:$0x18080] =	vst v63  }
0xd0: {  	s20 =	simm.s32 $0x9080  }
0xd1: {  	[tilespmem:s20], [sflag:$0x2] =	stream.indirect_vreg.gather [hbm4b:s5+s3], $0x80, v2, vm0, $0xb8;
	[tilespmem:$0x18080] =	vst v63  }
0xd2: {  	s20 =	simm.s32 $0x9880  }
0xd3: {  	[tilespmem:s20], [sflag:$0x2] =	stream.indirect_vreg.gather [hbm4b:s6+s3], $0x80, v2, vm0, $0xb8;
	[tilespmem:$0x18080] =	vst v63  }
0xd4: {  	s20 =	simm.s32 $0xA080  }
0xd5: {  	[tilespmem:s20], [sflag:$0x2] =	stream.indirect_vreg.gather [hbm4b:s7+s3], $0x80, v2, vm0, $0xb8;
	[tilespmem:$0x18080] =	vst v63  }
0xd6: {  	s20 =	simm.s32 $0xA880  }
0xd7: {  	[tilespmem:s20], [sflag:$0x2] =	stream.indirect_vreg.gather [hbm4b:s8+s3], $0x80, v2, vm0, $0xb8;
	[tilespmem:$0x18080] =	vst v63  }
0xd8: {  	s20 =	simm.s32 $0xB080  }
0xd9: {  	[tilespmem:s20], [sflag:$0x2] =	stream.indirect_vreg.gather [hbm4b:s9+s3], $0x80, v2, vm0, $0xb8;
	[tilespmem:$0x18080] =	vst v63  }
0xda: {  	s20 =	simm.s32 $0xB880  }
0xdb: {  	[tilespmem:s20], [sflag:$0x2] =	stream.indirect_vreg.gather [hbm4b:s10+s3], $0x80, v2, vm0, $0xb8;
	[tilespmem:$0x18080] =	vst v63  }
0xdc: {  	s20 =	simm.s32 $0xC080  }
0xdd: {  	[tilespmem:s20], [sflag:$0x2] =	stream.indirect_vreg.gather [hbm4b:s11+s3], $0x80, v2, vm0, $0xb8;
	[tilespmem:$0x18080] =	vst v63  }
0xde: {  	s20 =	simm.s32 $0xC880  }
0xdf: {  	[tilespmem:s20], [sflag:$0x2] =	stream.indirect_vreg.gather [hbm4b:s12+s3], $0x80, v2, vm0, $0xb8;
	[tilespmem:$0x18080] =	vst v63  }
0xe0: {  	s20 =	simm.s32 $0xD080  }
0xe1: {  	[tilespmem:s20], [sflag:$0x2] =	stream.indirect_vreg.gather [hbm4b:s13+s3], $0x80, v2, vm0, $0xb8;
	[tilespmem:$0x18080] =	vst v63  }
0xe2: {  	s20 =	simm.s32 $0xD880  }
0xe3: {  	[tilespmem:s20], [sflag:$0x2] =	stream.indirect_vreg.gather [hbm4b:s14+s3], $0x80, v2, vm0, $0xb8;
	[tilespmem:$0x18080] =	vst v63  }
0xe4: {  	s20 =	simm.s32 $0xE080  }
0xe5: {  	[tilespmem:s20], [sflag:$0x2] =	stream.indirect_vreg.gather [hbm4b:s15+s3], $0x80, v2, vm0, $0xb8;
	[tilespmem:$0x18080] =	vst v63  }
0xe6: {  	s20 =	simm.s32 $0xE880  }
0xe7: {  	[tilespmem:s20], [sflag:$0x2] =	stream.indirect_vreg.gather [hbm4b:s16+s3], $0x80, v2, vm0, $0xb8;
	[tilespmem:$0x18080] =	vst v63  }
0xe8: {  	s20 =	simm.s32 $0xF080  }
0xe9: {  	[tilespmem:s20], [sflag:$0x2] =	stream.indirect_vreg.gather [hbm4b:s17+s3], $0x80, v2, vm0, $0xb8;
	[tilespmem:$0x18080] =	vst v63  }
0xea: {  	s20 =	simm.s32 $0xF880  }
0xeb: {  	[tilespmem:s20], [sflag:$0x2] =	stream.indirect_vreg.gather [hbm4b:s18+s3], $0x80, v2, vm0, $0xb8;
	[tilespmem:$0x18080] =	vst v63  }
0xec: {  	_ =	swait.ge [sflag:s26], $0x8000  }
0xed: {  	[sflag:s26] =	ssyncset.done $0x0  }
0xee: {  	s20 =	rddreg [dreg:$0x8];
	[sflag:s26] =	ssyncadd.s32 $0xFFFF8000  }
0xef: {  	[hbm4b:s20+s3] =	stream.linear.scatter [tilespmem:s22], [sflag:$0x4], $0x8000, $0x38;
	[tilespmem:$0x18080] =	vst v63  }
0xf0: {  	_ =	swait.ge [sflag:s2], $0x8000  }
0xf1: {  	[sflag:s2] =	ssyncset.done $0x0  }
0xf2: {  	[sflag:s2] =	ssyncadd.s32 $0xFFFF8000  }
0xf3: {  	v2 =	vld.msk [tilespmem:$0x28], $0xff;
	_ =	sdelay $0x4  }
0xf4: {  	v3 =	vshll.u32 v2, $0x5  }
0xf5: {  	v2 =	vand.u32 $0x7, v2;
	v3 =	vand.u32 $0xFFFFFF00, v3  }
0xf6: {  	v2 =	vor.u32 v2, v3  }
0xf7: {  	v2 =	vperm.xlane v2, v0;
	_ =	sdelay $0x1  }
0xf8: {  	v2 =	vadd.s32 v1, v2;
	_ =	sdelay $0x4  }
0xf9: {  	[tilespmem:s21], [sflag:$0x3] =	stream.indirect_vreg.gather [hbm4b:s1+s3], $0x80, v2, vm0, $0xb8;
	[tilespmem:$0x18080] =	vst v63  }
0xfa: {  	s20 =	simm.s32 $0x10880  }
0xfb: {  	[tilespmem:s20], [sflag:$0x3] =	stream.indirect_vreg.gather [hbm4b:s4+s3], $0x80, v2, vm0, $0xb8;
	[tilespmem:$0x18080] =	vst v63  }
0xfc: {  	s20 =	simm.s32 $0x11080  }
0xfd: {  	[tilespmem:s20], [sflag:$0x3] =	stream.indirect_vreg.gather [hbm4b:s5+s3], $0x80, v2, vm0, $0xb8;
	[tilespmem:$0x18080] =	vst v63  }
0xfe: {  	s20 =	simm.s32 $0x11880  }
0xff: {  	[tilespmem:s20], [sflag:$0x3] =	stream.indirect_vreg.gather [hbm4b:s6+s3], $0x80, v2, vm0, $0xb8;
	[tilespmem:$0x18080] =	vst v63  }
0x100: {  	s20 =	simm.s32 $0x12080  }
0x101: {  	[tilespmem:s20], [sflag:$0x3] =	stream.indirect_vreg.gather [hbm4b:s7+s3], $0x80, v2, vm0, $0xb8;
	[tilespmem:$0x18080] =	vst v63  }
0x102: {  	s20 =	simm.s32 $0x12880  }
0x103: {  	[tilespmem:s20], [sflag:$0x3] =	stream.indirect_vreg.gather [hbm4b:s8+s3], $0x80, v2, vm0, $0xb8;
	[tilespmem:$0x18080] =	vst v63  }
0x104: {  	s20 =	simm.s32 $0x13080  }
0x105: {  	[tilespmem:s20], [sflag:$0x3] =	stream.indirect_vreg.gather [hbm4b:s9+s3], $0x80, v2, vm0, $0xb8;
	[tilespmem:$0x18080] =	vst v63  }
0x106: {  	s20 =	simm.s32 $0x13880  }
0x107: {  	[tilespmem:s20], [sflag:$0x3] =	stream.indirect_vreg.gather [hbm4b:s10+s3], $0x80, v2, vm0, $0xb8;
	[tilespmem:$0x18080] =	vst v63  }
0x108: {  	s20 =	simm.s32 $0x14080  }
0x109: {  	[tilespmem:s20], [sflag:$0x3] =	stream.indirect_vreg.gather [hbm4b:s11+s3], $0x80, v2, vm0, $0xb8;
	[tilespmem:$0x18080] =	vst v63  }
0x10a: {  	s20 =	simm.s32 $0x14880  }
0x10b: {  	[tilespmem:s20], [sflag:$0x3] =	stream.indirect_vreg.gather [hbm4b:s12+s3], $0x80, v2, vm0, $0xb8;
	[tilespmem:$0x18080] =	vst v63  }
0x10c: {  	s20 =	simm.s32 $0x15080  }
0x10d: {  	[tilespmem:s20], [sflag:$0x3] =	stream.indirect_vreg.gather [hbm4b:s13+s3], $0x80, v2, vm0, $0xb8;
	[tilespmem:$0x18080] =	vst v63  }
0x10e: {  	s20 =	simm.s32 $0x15880  }
0x10f: {  	[tilespmem:s20], [sflag:$0x3] =	stream.indirect_vreg.gather [hbm4b:s14+s3], $0x80, v2, vm0, $0xb8;
	[tilespmem:$0x18080] =	vst v63  }
0x110: {  	s20 =	simm.s32 $0x16080  }
0x111: {  	[tilespmem:s20], [sflag:$0x3] =	stream.indirect_vreg.gather [hbm4b:s15+s3], $0x80, v2, vm0, $0xb8;
	[tilespmem:$0x18080] =	vst v63  }
0x112: {  	s20 =	simm.s32 $0x16880  }
0x113: {  	[tilespmem:s20], [sflag:$0x3] =	stream.indirect_vreg.gather [hbm4b:s16+s3], $0x80, v2, vm0, $0xb8;
	[tilespmem:$0x18080] =	vst v63  }
0x114: {  	s20 =	simm.s32 $0x17080  }
0x115: {  	[tilespmem:s20], [sflag:$0x3] =	stream.indirect_vreg.gather [hbm4b:s17+s3], $0x80, v2, vm0, $0xb8;
	[tilespmem:$0x18080] =	vst v63  }
0x116: {  	s20 =	simm.s32 $0x17880  }
0x117: {  	[tilespmem:s20], [sflag:$0x3] =	stream.indirect_vreg.gather [hbm4b:s18+s3], $0x80, v2, vm0, $0xb8;
	[tilespmem:$0x18080] =	vst v63  }
0x118: {  	_ =	swait.ge [sflag:s29], $0x8000  }
0x119: {  	[sflag:s29] =	ssyncset.done $0x0  }
0x11a: {  	s20 =	rddreg [dreg:$0x9];
	[sflag:s29] =	ssyncadd.s32 $0xFFFF8000  }
0x11b: {  	[hbm4b:s20+s3] =	stream.linear.scatter [tilespmem:s28], [sflag:$0x5], $0x8000, $0x38;
	[tilespmem:$0x18080] =	vst v63  }
0x11c: {  	_ =	swait.ge [sflag:s30], $0x8000  }
0x11d: {  	[sflag:s30] =	ssyncset.done $0x0  }
0x11e: {  	[sflag:s30] =	ssyncadd.s32 $0xFFFF8000  }
0x11f: {  	v2 =	vld.msk [tilespmem:$0x30], $0xff;
	_ =	sdelay $0x4  }
0x120: {  	v3 =	vshll.u32 v2, $0x5  }
0x121: {  	v2 =	vand.u32 $0x7, v2;
	v3 =	vand.u32 $0xFFFFFF00, v3  }
0x122: {  	v2 =	vor.u32 v2, v3  }
0x123: {  	v2 =	vperm.xlane v2, v0;
	_ =	sdelay $0x1  }
0x124: {  	v2 =	vadd.s32 v1, v2;
	_ =	sdelay $0x4  }
0x125: {  	[tilespmem:s22], [sflag:$0x1] =	stream.indirect_vreg.gather [hbm4b:s1+s3], $0x80, v2, vm0, $0xb8;
	[tilespmem:$0x18080] =	vst v63  }
0x126: {  	s20 =	simm.s32 $0x880  }
0x127: {  	[tilespmem:s20], [sflag:$0x1] =	stream.indirect_vreg.gather [hbm4b:s4+s3], $0x80, v2, vm0, $0xb8;
	[tilespmem:$0x18080] =	vst v63  }
0x128: {  	s20 =	simm.s32 $0x1080  }
0x129: {  	[tilespmem:s20], [sflag:$0x1] =	stream.indirect_vreg.gather [hbm4b:s5+s3], $0x80, v2, vm0, $0xb8;
	[tilespmem:$0x18080] =	vst v63  }
0x12a: {  	s24 =	simm.s32 $0x1880  }
0x12b: {  	[tilespmem:s24], [sflag:$0x1] =	stream.indirect_vreg.gather [hbm4b:s6+s3], $0x80, v2, vm0, $0xb8;
	[tilespmem:$0x18080] =	vst v63  }
0x12c: {  	s25 =	simm.s32 $0x2080  }
0x12d: {  	[tilespmem:s25], [sflag:$0x1] =	stream.indirect_vreg.gather [hbm4b:s7+s3], $0x80, v2, vm0, $0xb8;
	[tilespmem:$0x18080] =	vst v63  }
0x12e: {  	s20 =	simm.s32 $0x2880  }
0x12f: {  	[tilespmem:s20], [sflag:$0x1] =	stream.indirect_vreg.gather [hbm4b:s8+s3], $0x80, v2, vm0, $0xb8;
	[tilespmem:$0x18080] =	vst v63  }
0x130: {  	s20 =	simm.s32 $0x3080  }
0x131: {  	[tilespmem:s20], [sflag:$0x1] =	stream.indirect_vreg.gather [hbm4b:s9+s3], $0x80, v2, vm0, $0xb8;
	[tilespmem:$0x18080] =	vst v63  }
0x132: {  	s20 =	simm.s32 $0x3880  }
0x133: {  	[tilespmem:s20], [sflag:$0x1] =	stream.indirect_vreg.gather [hbm4b:s10+s3], $0x80, v2, vm0, $0xb8;
	[tilespmem:$0x18080] =	vst v63  }
0x134: {  	s20 =	simm.s32 $0x4080  }
0x135: {  	[tilespmem:s20], [sflag:$0x1] =	stream.indirect_vreg.gather [hbm4b:s11+s3], $0x80, v2, vm0, $0xb8;
	[tilespmem:$0x18080] =	vst v63  }
0x136: {  	s20 =	simm.s32 $0x4880  }
0x137: {  	[tilespmem:s20], [sflag:$0x1] =	stream.indirect_vreg.gather [hbm4b:s12+s3], $0x80, v2, vm0, $0xb8;
	[tilespmem:$0x18080] =	vst v63  }
0x138: {  	s20 =	simm.s32 $0x5080  }
0x139: {  	[tilespmem:s20], [sflag:$0x1] =	stream.indirect_vreg.gather [hbm4b:s13+s3], $0x80, v2, vm0, $0xb8;
	[tilespmem:$0x18080] =	vst v63  }
0x13a: {  	s20 =	simm.s32 $0x5880  }
0x13b: {  	[tilespmem:s20], [sflag:$0x1] =	stream.indirect_vreg.gather [hbm4b:s14+s3], $0x80, v2, vm0, $0xb8;
	[tilespmem:$0x18080] =	vst v63  }
0x13c: {  	s20 =	simm.s32 $0x6080  }
0x13d: {  	[tilespmem:s20], [sflag:$0x1] =	stream.indirect_vreg.gather [hbm4b:s15+s3], $0x80, v2, vm0, $0xb8;
	[tilespmem:$0x18080] =	vst v63  }
0x13e: {  	s20 =	simm.s32 $0x6880  }
0x13f: {  	[tilespmem:s20], [sflag:$0x1] =	stream.indirect_vreg.gather [hbm4b:s16+s3], $0x80, v2, vm0, $0xb8;
	[tilespmem:$0x18080] =	vst v63  }
0x140: {  	s20 =	simm.s32 $0x7080  }
0x141: {  	[tilespmem:s20], [sflag:$0x1] =	stream.indirect_vreg.gather [hbm4b:s17+s3], $0x80, v2, vm0, $0xb8;
	[tilespmem:$0x18080] =	vst v63  }
0x142: {  	s23 =	simm.s32 $0x7880  }
0x143: {  	[tilespmem:s23], [sflag:$0x1] =	stream.indirect_vreg.gather [hbm4b:s18+s3], $0x80, v2, vm0, $0xb8;
	[tilespmem:$0x18080] =	vst v63  }
0x144: {  	_ =	swait.ge [sflag:s31], $0x8000  }
0x145: {  	[sflag:s31] =	ssyncset.done $0x0  }
0x146: {  	s20 =	rddreg [dreg:$0xa];
	[sflag:s31] =	ssyncadd.s32 $0xFFFF8000  }
0x147: {  	[hbm4b:s20+s3] =	stream.linear.scatter [tilespmem:s21], [sflag:$0x6], $0x8000, $0x38;
	[tilespmem:$0x18080] =	vst v63  }
0x148: {  	_ =	swait.ge [sflag:s0], $0x8000  }
0x149: {  	[sflag:s0] =	ssyncset.done $0x0  }
0x14a: {  	[sflag:s0] =	ssyncadd.s32 $0xFFFF8000  }
0x14b: {  	v2 =	vld.msk [tilespmem:$0x38], $0xff;
	_ =	sdelay $0x4  }
0x14c: {  	v3 =	vshll.u32 v2, $0x5  }
0x14d: {  	v2 =	vand.u32 $0x7, v2;
	v3 =	vand.u32 $0xFFFFFF00, v3  }
0x14e: {  	v2 =	vor.u32 v2, v3  }
0x14f: {  	v2 =	vperm.xlane v2, v0;
	_ =	sdelay $0x1  }
0x150: {  	v2 =	vadd.s32 v1, v2;
	_ =	sdelay $0x4  }
0x151: {  	[tilespmem:s28], [sflag:$0x2] =	stream.indirect_vreg.gather [hbm4b:s1+s3], $0x80, v2, vm0, $0xb8;
	[tilespmem:$0x18080] =	vst v63  }
0x152: {  	s20 =	simm.s32 $0x8880  }
0x153: {  	[tilespmem:s20], [sflag:$0x2] =	stream.indirect_vreg.gather [hbm4b:s4+s3], $0x80, v2, vm0, $0xb8;
	[tilespmem:$0x18080] =	vst v63  }
0x154: {  	s20 =	simm.s32 $0x9080  }
0x155: {  	[tilespmem:s20], [sflag:$0x2] =	stream.indirect_vreg.gather [hbm4b:s5+s3], $0x80, v2, vm0, $0xb8;
	[tilespmem:$0x18080] =	vst v63  }
0x156: {  	s20 =	simm.s32 $0x9880  }
0x157: {  	[tilespmem:s20], [sflag:$0x2] =	stream.indirect_vreg.gather [hbm4b:s6+s3], $0x80, v2, vm0, $0xb8;
	[tilespmem:$0x18080] =	vst v63  }
0x158: {  	s20 =	simm.s32 $0xA080  }
0x159: {  	[tilespmem:s20], [sflag:$0x2] =	stream.indirect_vreg.gather [hbm4b:s7+s3], $0x80, v2, vm0, $0xb8;
	[tilespmem:$0x18080] =	vst v63  }
0x15a: {  	s20 =	simm.s32 $0xA880  }
0x15b: {  	[tilespmem:s20], [sflag:$0x2] =	stream.indirect_vreg.gather [hbm4b:s8+s3], $0x80, v2, vm0, $0xb8;
	[tilespmem:$0x18080] =	vst v63  }
0x15c: {  	s20 =	simm.s32 $0xB080  }
0x15d: {  	[tilespmem:s20], [sflag:$0x2] =	stream.indirect_vreg.gather [hbm4b:s9+s3], $0x80, v2, vm0, $0xb8;
	[tilespmem:$0x18080] =	vst v63  }
0x15e: {  	s20 =	simm.s32 $0xB880  }
0x15f: {  	[tilespmem:s20], [sflag:$0x2] =	stream.indirect_vreg.gather [hbm4b:s10+s3], $0x80, v2, vm0, $0xb8;
	[tilespmem:$0x18080] =	vst v63  }
0x160: {  	s20 =	simm.s32 $0xC080  }
0x161: {  	[tilespmem:s20], [sflag:$0x2] =	stream.indirect_vreg.gather [hbm4b:s11+s3], $0x80, v2, vm0, $0xb8;
	[tilespmem:$0x18080] =	vst v63  }
0x162: {  	s20 =	simm.s32 $0xC880  }
0x163: {  	[tilespmem:s20], [sflag:$0x2] =	stream.indirect_vreg.gather [hbm4b:s12+s3], $0x80, v2, vm0, $0xb8;
	[tilespmem:$0x18080] =	vst v63  }
0x164: {  	s20 =	simm.s32 $0xD080  }
0x165: {  	[tilespmem:s20], [sflag:$0x2] =	stream.indirect_vreg.gather [hbm4b:s13+s3], $0x80, v2, vm0, $0xb8;
	[tilespmem:$0x18080] =	vst v63  }
0x166: {  	s20 =	simm.s32 $0xD880  }
0x167: {  	[tilespmem:s20], [sflag:$0x2] =	stream.indirect_vreg.gather [hbm4b:s14+s3], $0x80, v2, vm0, $0xb8;
	[tilespmem:$0x18080] =	vst v63  }
0x168: {  	s20 =	simm.s32 $0xE080  }
0x169: {  	[tilespmem:s20], [sflag:$0x2] =	stream.indirect_vreg.gather [hbm4b:s15+s3], $0x80, v2, vm0, $0xb8;
	[tilespmem:$0x18080] =	vst v63  }
0x16a: {  	s20 =	simm.s32 $0xE880  }
0x16b: {  	[tilespmem:s20], [sflag:$0x2] =	stream.indirect_vreg.gather [hbm4b:s16+s3], $0x80, v2, vm0, $0xb8;
	[tilespmem:$0x18080] =	vst v63  }
0x16c: {  	s20 =	simm.s32 $0xF080  }
0x16d: {  	[tilespmem:s20], [sflag:$0x2] =	stream.indirect_vreg.gather [hbm4b:s17+s3], $0x80, v2, vm0, $0xb8;
	[tilespmem:$0x18080] =	vst v63  }
0x16e: {  	s20 =	simm.s32 $0xF880  }
0x16f: {  	[tilespmem:s20], [sflag:$0x2] =	stream.indirect_vreg.gather [hbm4b:s18+s3], $0x80, v2, vm0, $0xb8;
	[tilespmem:$0x18080] =	vst v63  }
0x170: {  	_ =	swait.ge [sflag:s26], $0x8000  }
0x171: {  	[sflag:s26] =	ssyncset.done $0x0  }
0x172: {  	s20 =	rddreg [dreg:$0xb];
	[sflag:s26] =	ssyncadd.s32 $0xFFFF8000  }
0x173: {  	[hbm4b:s20+s3] =	stream.linear.scatter [tilespmem:s22], [sflag:$0x4], $0x8000, $0x38;
	[tilespmem:$0x18080] =	vst v63  }
0x174: {  	_ =	swait.ge [sflag:s2], $0x8000  }
0x175: {  	[sflag:s2] =	ssyncset.done $0x0  }
0x176: {  	[sflag:s2] =	ssyncadd.s32 $0xFFFF8000  }
0x177: {  	v2 =	vld.msk [tilespmem:$0x40], $0xff;
	_ =	sdelay $0x4  }
0x178: {  	v3 =	vshll.u32 v2, $0x5  }
0x179: {  	v2 =	vand.u32 $0x7, v2;
	v3 =	vand.u32 $0xFFFFFF00, v3  }
0x17a: {  	v2 =	vor.u32 v2, v3  }
0x17b: {  	v2 =	vperm.xlane v2, v0;
	_ =	sdelay $0x1  }
0x17c: {  	v2 =	vadd.s32 v1, v2;
	_ =	sdelay $0x4  }
0x17d: {  	[tilespmem:s21], [sflag:$0x3] =	stream.indirect_vreg.gather [hbm4b:s1+s3], $0x80, v2, vm0, $0xb8;
	[tilespmem:$0x18080] =	vst v63  }
0x17e: {  	s20 =	simm.s32 $0x10880  }
0x17f: {  	[tilespmem:s20], [sflag:$0x3] =	stream.indirect_vreg.gather [hbm4b:s4+s3], $0x80, v2, vm0, $0xb8;
	[tilespmem:$0x18080] =	vst v63  }
0x180: {  	s20 =	simm.s32 $0x11080  }
0x181: {  	[tilespmem:s20], [sflag:$0x3] =	stream.indirect_vreg.gather [hbm4b:s5+s3], $0x80, v2, vm0, $0xb8;
	[tilespmem:$0x18080] =	vst v63  }
0x182: {  	s20 =	simm.s32 $0x11880  }
0x183: {  	[tilespmem:s20], [sflag:$0x3] =	stream.indirect_vreg.gather [hbm4b:s6+s3], $0x80, v2, vm0, $0xb8;
	[tilespmem:$0x18080] =	vst v63  }
0x184: {  	s20 =	simm.s32 $0x12080  }
0x185: {  	[tilespmem:s20], [sflag:$0x3] =	stream.indirect_vreg.gather [hbm4b:s7+s3], $0x80, v2, vm0, $0xb8;
	[tilespmem:$0x18080] =	vst v63  }
0x186: {  	s20 =	simm.s32 $0x12880  }
0x187: {  	[tilespmem:s20], [sflag:$0x3] =	stream.indirect_vreg.gather [hbm4b:s8+s3], $0x80, v2, vm0, $0xb8;
	[tilespmem:$0x18080] =	vst v63  }
0x188: {  	s20 =	simm.s32 $0x13080  }
0x189: {  	[tilespmem:s20], [sflag:$0x3] =	stream.indirect_vreg.gather [hbm4b:s9+s3], $0x80, v2, vm0, $0xb8;
	[tilespmem:$0x18080] =	vst v63  }
0x18a: {  	s20 =	simm.s32 $0x13880  }
0x18b: {  	[tilespmem:s20], [sflag:$0x3] =	stream.indirect_vreg.gather [hbm4b:s10+s3], $0x80, v2, vm0, $0xb8;
	[tilespmem:$0x18080] =	vst v63  }
0x18c: {  	s20 =	simm.s32 $0x14080  }
0x18d: {  	[tilespmem:s20], [sflag:$0x3] =	stream.indirect_vreg.gather [hbm4b:s11+s3], $0x80, v2, vm0, $0xb8;
	[tilespmem:$0x18080] =	vst v63  }
0x18e: {  	s20 =	simm.s32 $0x14880  }
0x18f: {  	[tilespmem:s20], [sflag:$0x3] =	stream.indirect_vreg.gather [hbm4b:s12+s3], $0x80, v2, vm0, $0xb8;
	[tilespmem:$0x18080] =	vst v63  }
0x190: {  	s20 =	simm.s32 $0x15080  }
0x191: {  	[tilespmem:s20], [sflag:$0x3] =	stream.indirect_vreg.gather [hbm4b:s13+s3], $0x80, v2, vm0, $0xb8;
	[tilespmem:$0x18080] =	vst v63  }
0x192: {  	s20 =	simm.s32 $0x15880  }
0x193: {  	[tilespmem:s20], [sflag:$0x3] =	stream.indirect_vreg.gather [hbm4b:s14+s3], $0x80, v2, vm0, $0xb8;
	[tilespmem:$0x18080] =	vst v63  }
0x194: {  	s20 =	simm.s32 $0x16080  }
0x195: {  	[tilespmem:s20], [sflag:$0x3] =	stream.indirect_vreg.gather [hbm4b:s15+s3], $0x80, v2, vm0, $0xb8;
	[tilespmem:$0x18080] =	vst v63  }
0x196: {  	s20 =	simm.s32 $0x16880  }
0x197: {  	[tilespmem:s20], [sflag:$0x3] =	stream.indirect_vreg.gather [hbm4b:s16+s3], $0x80, v2, vm0, $0xb8;
	[tilespmem:$0x18080] =	vst v63  }
0x198: {  	s20 =	simm.s32 $0x17080  }
0x199: {  	[tilespmem:s20], [sflag:$0x3] =	stream.indirect_vreg.gather [hbm4b:s17+s3], $0x80, v2, vm0, $0xb8;
	[tilespmem:$0x18080] =	vst v63  }
0x19a: {  	s20 =	simm.s32 $0x17880  }
0x19b: {  	[tilespmem:s20], [sflag:$0x3] =	stream.indirect_vreg.gather [hbm4b:s18+s3], $0x80, v2, vm0, $0xb8;
	[tilespmem:$0x18080] =	vst v63  }
0x19c: {  	_ =	swait.ge [sflag:s29], $0x8000  }
0x19d: {  	[sflag:s29] =	ssyncset.done $0x0  }
0x19e: {  	s20 =	rddreg [dreg:$0xc];
	[sflag:s29] =	ssyncadd.s32 $0xFFFF8000  }
0x19f: {  	[hbm4b:s20+s3] =	stream.linear.scatter [tilespmem:s28], [sflag:$0x5], $0x8000, $0x38;
	[tilespmem:$0x18080] =	vst v63  }
0x1a0: {  	_ =	swait.ge [sflag:s30], $0x8000  }
0x1a1: {  	[sflag:s30] =	ssyncset.done $0x0  }
0x1a2: {  	[sflag:s30] =	ssyncadd.s32 $0xFFFF8000  }
0x1a3: {  	v2 =	vld.msk [tilespmem:$0x48], $0xff;
	_ =	sdelay $0x4  }
0x1a4: {  	v3 =	vshll.u32 v2, $0x5  }
0x1a5: {  	v2 =	vand.u32 $0x7, v2;
	v3 =	vand.u32 $0xFFFFFF00, v3  }
0x1a6: {  	v2 =	vor.u32 v2, v3  }
0x1a7: {  	v2 =	vperm.xlane v2, v0;
	_ =	sdelay $0x1  }
0x1a8: {  	v2 =	vadd.s32 v1, v2;
	_ =	sdelay $0x4  }
0x1a9: {  	[tilespmem:s22], [sflag:$0x1] =	stream.indirect_vreg.gather [hbm4b:s1+s3], $0x80, v2, vm0, $0xb8;
	[tilespmem:$0x18080] =	vst v63  }
0x1aa: {  	s20 =	simm.s32 $0x880  }
0x1ab: {  	[tilespmem:s20], [sflag:$0x1] =	stream.indirect_vreg.gather [hbm4b:s4+s3], $0x80, v2, vm0, $0xb8;
	[tilespmem:$0x18080] =	vst v63  }
0x1ac: {  	s20 =	simm.s32 $0x1080  }
0x1ad: {  	[tilespmem:s20], [sflag:$0x1] =	stream.indirect_vreg.gather [hbm4b:s5+s3], $0x80, v2, vm0, $0xb8;
	[tilespmem:$0x18080] =	vst v63  }
0x1ae: {  	s24 =	simm.s32 $0x1880  }
0x1af: {  	[tilespmem:s24], [sflag:$0x1] =	stream.indirect_vreg.gather [hbm4b:s6+s3], $0x80, v2, vm0, $0xb8;
	[tilespmem:$0x18080] =	vst v63  }
0x1b0: {  	s25 =	simm.s32 $0x2080  }
0x1b1: {  	[tilespmem:s25], [sflag:$0x1] =	stream.indirect_vreg.gather [hbm4b:s7+s3], $0x80, v2, vm0, $0xb8;
	[tilespmem:$0x18080] =	vst v63  }
0x1b2: {  	s24 =	simm.s32 $0x2880  }
0x1b3: {  	[tilespmem:s24], [sflag:$0x1] =	stream.indirect_vreg.gather [hbm4b:s8+s3], $0x80, v2, vm0, $0xb8;
	[tilespmem:$0x18080] =	vst v63  }
0x1b4: {  	s25 =	simm.s32 $0x3080  }
0x1b5: {  	[tilespmem:s25], [sflag:$0x1] =	stream.indirect_vreg.gather [hbm4b:s9+s3], $0x80, v2, vm0, $0xb8;
	[tilespmem:$0x18080] =	vst v63  }
0x1b6: {  	s24 =	simm.s32 $0x3880  }
0x1b7: {  	[tilespmem:s24], [sflag:$0x1] =	stream.indirect_vreg.gather [hbm4b:s10+s3], $0x80, v2, vm0, $0xb8;
	[tilespmem:$0x18080] =	vst v63  }
0x1b8: {  	s25 =	simm.s32 $0x4080  }
0x1b9: {  	[tilespmem:s25], [sflag:$0x1] =	stream.indirect_vreg.gather [hbm4b:s11+s3], $0x80, v2, vm0, $0xb8;
	[tilespmem:$0x18080] =	vst v63  }
0x1ba: {  	s24 =	simm.s32 $0x4880  }
0x1bb: {  	[tilespmem:s24], [sflag:$0x1] =	stream.indirect_vreg.gather [hbm4b:s12+s3], $0x80, v2, vm0, $0xb8;
	[tilespmem:$0x18080] =	vst v63  }
0x1bc: {  	s25 =	simm.s32 $0x5080  }
0x1bd: {  	[tilespmem:s25], [sflag:$0x1] =	stream.indirect_vreg.gather [hbm4b:s13+s3], $0x80, v2, vm0, $0xb8;
	[tilespmem:$0x18080] =	vst v63  }
0x1be: {  	s24 =	simm.s32 $0x5880  }
0x1bf: {  	[tilespmem:s24], [sflag:$0x1] =	stream.indirect_vreg.gather [hbm4b:s14+s3], $0x80, v2, vm0, $0xb8;
	[tilespmem:$0x18080] =	vst v63  }
0x1c0: {  	s25 =	simm.s32 $0x6080  }
0x1c1: {  	[tilespmem:s25], [sflag:$0x1] =	stream.indirect_vreg.gather [hbm4b:s15+s3], $0x80, v2, vm0, $0xb8;
	[tilespmem:$0x18080] =	vst v63  }
0x1c2: {  	s24 =	simm.s32 $0x6880  }
0x1c3: {  	[tilespmem:s24], [sflag:$0x1] =	stream.indirect_vreg.gather [hbm4b:s16+s3], $0x80, v2, vm0, $0xb8;
	[tilespmem:$0x18080] =	vst v63  }
0x1c4: {  	s25 =	simm.s32 $0x7080  }
0x1c5: {  	[tilespmem:s25], [sflag:$0x1] =	stream.indirect_vreg.gather [hbm4b:s17+s3], $0x80, v2, vm0, $0xb8;
	[tilespmem:$0x18080] =	vst v63  }
0x1c6: {  	s23 =	simm.s32 $0x7880  }
0x1c7: {  	[tilespmem:s23], [sflag:$0x1] =	stream.indirect_vreg.gather [hbm4b:s18+s3], $0x80, v2, vm0, $0xb8;
	[tilespmem:$0x18080] =	vst v63  }
0x1c8: {  	_ =	swait.ge [sflag:s31], $0x8000  }
0x1c9: {  	[sflag:s31] =	ssyncset.done $0x0  }
0x1ca: {  	s24 =	rddreg [dreg:$0xd];
	[sflag:s31] =	ssyncadd.s32 $0xFFFF8000  }
0x1cb: {  	[hbm4b:s24+s3] =	stream.linear.scatter [tilespmem:s21], [sflag:$0x6], $0x8000, $0x38;
	[tilespmem:$0x18080] =	vst v63  }
0x1cc: {  	_ =	swait.ge [sflag:s0], $0x8000  }
0x1cd: {  	[sflag:s0] =	ssyncset.done $0x0  }
0x1ce: {  	[sflag:s0] =	ssyncadd.s32 $0xFFFF8000  }
0x1cf: {  	v2 =	vld.msk [tilespmem:$0x50], $0xff;
	_ =	sdelay $0x4  }
0x1d0: {  	v3 =	vshll.u32 v2, $0x5  }
0x1d1: {  	v2 =	vand.u32 $0x7, v2;
	v3 =	vand.u32 $0xFFFFFF00, v3  }
0x1d2: {  	v2 =	vor.u32 v2, v3  }
0x1d3: {  	v2 =	vperm.xlane v2, v0;
	_ =	sdelay $0x1  }
0x1d4: {  	v2 =	vadd.s32 v1, v2;
	_ =	sdelay $0x4  }
0x1d5: {  	[tilespmem:s28], [sflag:$0x2] =	stream.indirect_vreg.gather [hbm4b:s1+s3], $0x80, v2, vm0, $0xb8;
	[tilespmem:$0x18080] =	vst v63  }
0x1d6: {  	s25 =	simm.s32 $0x8880  }
0x1d7: {  	[tilespmem:s25], [sflag:$0x2] =	stream.indirect_vreg.gather [hbm4b:s4+s3], $0x80, v2, vm0, $0xb8;
	[tilespmem:$0x18080] =	vst v63  }
0x1d8: {  	s23 =	simm.s32 $0x9080  }
0x1d9: {  	[tilespmem:s23], [sflag:$0x2] =	stream.indirect_vreg.gather [hbm4b:s5+s3], $0x80, v2, vm0, $0xb8;
	[tilespmem:$0x18080] =	vst v63  }
0x1da: {  	s24 =	simm.s32 $0x9880  }
0x1db: {  	[tilespmem:s24], [sflag:$0x2] =	stream.indirect_vreg.gather [hbm4b:s6+s3], $0x80, v2, vm0, $0xb8;
	[tilespmem:$0x18080] =	vst v63  }
0x1dc: {  	s25 =	simm.s32 $0xA080  }
0x1dd: {  	[tilespmem:s25], [sflag:$0x2] =	stream.indirect_vreg.gather [hbm4b:s7+s3], $0x80, v2, vm0, $0xb8;
	[tilespmem:$0x18080] =	vst v63  }
0x1de: {  	s23 =	simm.s32 $0xA880  }
0x1df: {  	[tilespmem:s23], [sflag:$0x2] =	stream.indirect_vreg.gather [hbm4b:s8+s3], $0x80, v2, vm0, $0xb8;
	[tilespmem:$0x18080] =	vst v63  }
0x1e0: {  	s24 =	simm.s32 $0xB080  }
0x1e1: {  	[tilespmem:s24], [sflag:$0x2] =	stream.indirect_vreg.gather [hbm4b:s9+s3], $0x80, v2, vm0, $0xb8;
	[tilespmem:$0x18080] =	vst v63  }
0x1e2: {  	s25 =	simm.s32 $0xB880  }
0x1e3: {  	[tilespmem:s25], [sflag:$0x2] =	stream.indirect_vreg.gather [hbm4b:s10+s3], $0x80, v2, vm0, $0xb8;
	[tilespmem:$0x18080] =	vst v63  }
0x1e4: {  	s23 =	simm.s32 $0xC080  }
0x1e5: {  	[tilespmem:s23], [sflag:$0x2] =	stream.indirect_vreg.gather [hbm4b:s11+s3], $0x80, v2, vm0, $0xb8;
	[tilespmem:$0x18080] =	vst v63  }
0x1e6: {  	s24 =	simm.s32 $0xC880  }
0x1e7: {  	[tilespmem:s24], [sflag:$0x2] =	stream.indirect_vreg.gather [hbm4b:s12+s3], $0x80, v2, vm0, $0xb8;
	[tilespmem:$0x18080] =	vst v63  }
0x1e8: {  	s25 =	simm.s32 $0xD080  }
0x1e9: {  	[tilespmem:s25], [sflag:$0x2] =	stream.indirect_vreg.gather [hbm4b:s13+s3], $0x80, v2, vm0, $0xb8;
	[tilespmem:$0x18080] =	vst v63  }
0x1ea: {  	s23 =	simm.s32 $0xD880  }
0x1eb: {  	[tilespmem:s23], [sflag:$0x2] =	stream.indirect_vreg.gather [hbm4b:s14+s3], $0x80, v2, vm0, $0xb8;
	[tilespmem:$0x18080] =	vst v63  }
0x1ec: {  	s24 =	simm.s32 $0xE080  }
0x1ed: {  	[tilespmem:s24], [sflag:$0x2] =	stream.indirect_vreg.gather [hbm4b:s15+s3], $0x80, v2, vm0, $0xb8;
	[tilespmem:$0x18080] =	vst v63  }
0x1ee: {  	s25 =	simm.s32 $0xE880  }
0x1ef: {  	[tilespmem:s25], [sflag:$0x2] =	stream.indirect_vreg.gather [hbm4b:s16+s3], $0x80, v2, vm0, $0xb8;
	[tilespmem:$0x18080] =	vst v63  }
0x1f0: {  	s23 =	simm.s32 $0xF080  }
0x1f1: {  	[tilespmem:s23], [sflag:$0x2] =	stream.indirect_vreg.gather [hbm4b:s17+s3], $0x80, v2, vm0, $0xb8;
	[tilespmem:$0x18080] =	vst v63  }
0x1f2: {  	s24 =	simm.s32 $0xF880  }
0x1f3: {  	[tilespmem:s24], [sflag:$0x2] =	stream.indirect_vreg.gather [hbm4b:s18+s3], $0x80, v2, vm0, $0xb8;
	[tilespmem:$0x18080] =	vst v63  }
0x1f4: {  	_ =	swait.ge [sflag:s26], $0x8000  }
0x1f5: {  	[sflag:s26] =	ssyncset.done $0x0  }
0x1f6: {  	s25 =	rddreg [dreg:$0xe];
	[sflag:s26] =	ssyncadd.s32 $0xFFFF8000  }
0x1f7: {  	[hbm4b:s25+s3] =	stream.linear.scatter [tilespmem:s22], [sflag:$0x4], $0x8000, $0x38;
	[tilespmem:$0x18080] =	vst v63  }
0x1f8: {  	_ =	swait.ge [sflag:s2], $0x8000  }
0x1f9: {  	[sflag:s2] =	ssyncset.done $0x0  }
0x1fa: {  	[sflag:s2] =	ssyncadd.s32 $0xFFFF8000  }
0x1fb: {  	v2 =	vld.msk [tilespmem:$0x58], $0xff;
	_ =	sdelay $0x4  }
0x1fc: {  	v3 =	vshll.u32 v2, $0x5  }
0x1fd: {  	v2 =	vand.u32 $0x7, v2;
	v3 =	vand.u32 $0xFFFFFF00, v3  }
0x1fe: {  	v2 =	vor.u32 v2, v3  }
0x1ff: {  	v2 =	vperm.xlane v2, v0;
	_ =	sdelay $0x1  }
0x200: {  	v2 =	vadd.s32 v1, v2;
	_ =	sdelay $0x4  }
0x201: {  	[tilespmem:s21], [sflag:$0x3] =	stream.indirect_vreg.gather [hbm4b:s1+s3], $0x80, v2, vm0, $0xb8;
	[tilespmem:$0x18080] =	vst v63  }
0x202: {  	s23 =	simm.s32 $0x10880  }
0x203: {  	[tilespmem:s23], [sflag:$0x3] =	stream.indirect_vreg.gather [hbm4b:s4+s3], $0x80, v2, vm0, $0xb8;
	[tilespmem:$0x18080] =	vst v63  }
0x204: {  	s24 =	simm.s32 $0x11080  }
0x205: {  	[tilespmem:s24], [sflag:$0x3] =	stream.indirect_vreg.gather [hbm4b:s5+s3], $0x80, v2, vm0, $0xb8;
	[tilespmem:$0x18080] =	vst v63  }
0x206: {  	s25 =	simm.s32 $0x11880  }
0x207: {  	[tilespmem:s25], [sflag:$0x3] =	stream.indirect_vreg.gather [hbm4b:s6+s3], $0x80, v2, vm0, $0xb8;
	[tilespmem:$0x18080] =	vst v63  }
0x208: {  	s20 =	simm.s32 $0x12080  }
0x209: {  	[tilespmem:s20], [sflag:$0x3] =	stream.indirect_vreg.gather [hbm4b:s7+s3], $0x80, v2, vm0, $0xb8;
	[tilespmem:$0x18080] =	vst v63  }
0x20a: {  	s20 =	simm.s32 $0x12880  }
0x20b: {  	[tilespmem:s20], [sflag:$0x3] =	stream.indirect_vreg.gather [hbm4b:s8+s3], $0x80, v2, vm0, $0xb8;
	[tilespmem:$0x18080] =	vst v63  }
0x20c: {  	s20 =	simm.s32 $0x13080  }
0x20d: {  	[tilespmem:s20], [sflag:$0x3] =	stream.indirect_vreg.gather [hbm4b:s9+s3], $0x80, v2, vm0, $0xb8;
	[tilespmem:$0x18080] =	vst v63  }
0x20e: {  	s20 =	simm.s32 $0x13880  }
0x20f: {  	[tilespmem:s20], [sflag:$0x3] =	stream.indirect_vreg.gather [hbm4b:s10+s3], $0x80, v2, vm0, $0xb8;
	[tilespmem:$0x18080] =	vst v63  }
0x210: {  	s20 =	simm.s32 $0x14080  }
0x211: {  	[tilespmem:s20], [sflag:$0x3] =	stream.indirect_vreg.gather [hbm4b:s11+s3], $0x80, v2, vm0, $0xb8;
	[tilespmem:$0x18080] =	vst v63  }
0x212: {  	s20 =	simm.s32 $0x14880  }
0x213: {  	[tilespmem:s20], [sflag:$0x3] =	stream.indirect_vreg.gather [hbm4b:s12+s3], $0x80, v2, vm0, $0xb8;
	[tilespmem:$0x18080] =	vst v63  }
0x214: {  	s20 =	simm.s32 $0x15080  }
0x215: {  	[tilespmem:s20], [sflag:$0x3] =	stream.indirect_vreg.gather [hbm4b:s13+s3], $0x80, v2, vm0, $0xb8;
	[tilespmem:$0x18080] =	vst v63  }
0x216: {  	s20 =	simm.s32 $0x15880  }
0x217: {  	[tilespmem:s20], [sflag:$0x3] =	stream.indirect_vreg.gather [hbm4b:s14+s3], $0x80, v2, vm0, $0xb8;
	[tilespmem:$0x18080] =	vst v63  }
0x218: {  	s20 =	simm.s32 $0x16080  }
0x219: {  	[tilespmem:s20], [sflag:$0x3] =	stream.indirect_vreg.gather [hbm4b:s15+s3], $0x80, v2, vm0, $0xb8;
	[tilespmem:$0x18080] =	vst v63  }
0x21a: {  	s20 =	simm.s32 $0x16880  }
0x21b: {  	[tilespmem:s20], [sflag:$0x3] =	stream.indirect_vreg.gather [hbm4b:s16+s3], $0x80, v2, vm0, $0xb8;
	[tilespmem:$0x18080] =	vst v63  }
0x21c: {  	s20 =	simm.s32 $0x17080  }
0x21d: {  	[tilespmem:s20], [sflag:$0x3] =	stream.indirect_vreg.gather [hbm4b:s17+s3], $0x80, v2, vm0, $0xb8;
	[tilespmem:$0x18080] =	vst v63  }
0x21e: {  	s20 =	simm.s32 $0x17880  }
0x21f: {  	[tilespmem:s20], [sflag:$0x3] =	stream.indirect_vreg.gather [hbm4b:s18+s3], $0x80, v2, vm0, $0xb8;
	[tilespmem:$0x18080] =	vst v63  }
0x220: {  	_ =	swait.ge [sflag:s29], $0x8000  }
0x221: {  	[sflag:s29] =	ssyncset.done $0x0  }
0x222: {  	s20 =	rddreg [dreg:$0xf];
	[sflag:s29] =	ssyncadd.s32 $0xFFFF8000  }
0x223: {  	[hbm4b:s20+s3] =	stream.linear.scatter [tilespmem:s28], [sflag:$0x5], $0x8000, $0x38;
	[tilespmem:$0x18080] =	vst v63  }
0x224: {  	_ =	swait.ge [sflag:s30], $0x8000  }
0x225: {  	[sflag:s30] =	ssyncset.done $0x0  }
0x226: {  	[sflag:s30] =	ssyncadd.s32 $0xFFFF8000  }
0x227: {  	v2 =	vld.msk [tilespmem:$0x60], $0xff;
	_ =	sdelay $0x4  }
0x228: {  	v3 =	vshll.u32 v2, $0x5  }
0x229: {  	v2 =	vand.u32 $0x7, v2;
	v3 =	vand.u32 $0xFFFFFF00, v3  }
0x22a: {  	v2 =	vor.u32 v2, v3  }
0x22b: {  	v2 =	vperm.xlane v2, v0;
	_ =	sdelay $0x1  }
0x22c: {  	v2 =	vadd.s32 v1, v2;
	_ =	sdelay $0x4  }
0x22d: {  	[tilespmem:s22], [sflag:$0x1] =	stream.indirect_vreg.gather [hbm4b:s1+s3], $0x80, v2, vm0, $0xb8;
	[tilespmem:$0x18080] =	vst v63  }
0x22e: {  	s20 =	simm.s32 $0x880  }
0x22f: {  	[tilespmem:s20], [sflag:$0x1] =	stream.indirect_vreg.gather [hbm4b:s4+s3], $0x80, v2, vm0, $0xb8;
	[tilespmem:$0x18080] =	vst v63  }
0x230: {  	s20 =	simm.s32 $0x1080  }
0x231: {  	[tilespmem:s20], [sflag:$0x1] =	stream.indirect_vreg.gather [hbm4b:s5+s3], $0x80, v2, vm0, $0xb8;
	[tilespmem:$0x18080] =	vst v63  }
0x232: {  	s20 =	simm.s32 $0x1880  }
0x233: {  	[tilespmem:s20], [sflag:$0x1] =	stream.indirect_vreg.gather [hbm4b:s6+s3], $0x80, v2, vm0, $0xb8;
	[tilespmem:$0x18080] =	vst v63  }
0x234: {  	s20 =	simm.s32 $0x2080  }
0x235: {  	[tilespmem:s20], [sflag:$0x1] =	stream.indirect_vreg.gather [hbm4b:s7+s3], $0x80, v2, vm0, $0xb8;
	[tilespmem:$0x18080] =	vst v63  }
0x236: {  	s20 =	simm.s32 $0x2880  }
0x237: {  	[tilespmem:s20], [sflag:$0x1] =	stream.indirect_vreg.gather [hbm4b:s8+s3], $0x80, v2, vm0, $0xb8;
	[tilespmem:$0x18080] =	vst v63  }
0x238: {  	s20 =	simm.s32 $0x3080  }
0x239: {  	[tilespmem:s20], [sflag:$0x1] =	stream.indirect_vreg.gather [hbm4b:s9+s3], $0x80, v2, vm0, $0xb8;
	[tilespmem:$0x18080] =	vst v63  }
0x23a: {  	s20 =	simm.s32 $0x3880  }
0x23b: {  	[tilespmem:s20], [sflag:$0x1] =	stream.indirect_vreg.gather [hbm4b:s10+s3], $0x80, v2, vm0, $0xb8;
	[tilespmem:$0x18080] =	vst v63  }
0x23c: {  	s20 =	simm.s32 $0x4080  }
0x23d: {  	[tilespmem:s20], [sflag:$0x1] =	stream.indirect_vreg.gather [hbm4b:s11+s3], $0x80, v2, vm0, $0xb8;
	[tilespmem:$0x18080] =	vst v63  }
0x23e: {  	s20 =	simm.s32 $0x4880  }
0x23f: {  	[tilespmem:s20], [sflag:$0x1] =	stream.indirect_vreg.gather [hbm4b:s12+s3], $0x80, v2, vm0, $0xb8;
	[tilespmem:$0x18080] =	vst v63  }
0x240: {  	s20 =	simm.s32 $0x5080  }
0x241: {  	[tilespmem:s20], [sflag:$0x1] =	stream.indirect_vreg.gather [hbm4b:s13+s3], $0x80, v2, vm0, $0xb8;
	[tilespmem:$0x18080] =	vst v63  }
0x242: {  	s20 =	simm.s32 $0x5880  }
0x243: {  	[tilespmem:s20], [sflag:$0x1] =	stream.indirect_vreg.gather [hbm4b:s14+s3], $0x80, v2, vm0, $0xb8;
	[tilespmem:$0x18080] =	vst v63  }
0x244: {  	s20 =	simm.s32 $0x6080  }
0x245: {  	[tilespmem:s20], [sflag:$0x1] =	stream.indirect_vreg.gather [hbm4b:s15+s3], $0x80, v2, vm0, $0xb8;
	[tilespmem:$0x18080] =	vst v63  }
0x246: {  	s20 =	simm.s32 $0x6880  }
0x247: {  	[tilespmem:s20], [sflag:$0x1] =	stream.indirect_vreg.gather [hbm4b:s16+s3], $0x80, v2, vm0, $0xb8;
	[tilespmem:$0x18080] =	vst v63  }
0x248: {  	s20 =	simm.s32 $0x7080  }
0x249: {  	[tilespmem:s20], [sflag:$0x1] =	stream.indirect_vreg.gather [hbm4b:s17+s3], $0x80, v2, vm0, $0xb8;
	[tilespmem:$0x18080] =	vst v63  }
0x24a: {  	s20 =	simm.s32 $0x7880  }
0x24b: {  	[tilespmem:s20], [sflag:$0x1] =	stream.indirect_vreg.gather [hbm4b:s18+s3], $0x80, v2, vm0, $0xb8;
	[tilespmem:$0x18080] =	vst v63  }
0x24c: {  	_ =	swait.ge [sflag:s31], $0x8000  }
0x24d: {  	[sflag:s31] =	ssyncset.done $0x0  }
0x24e: {  	s20 =	rddreg [dreg:$0x10];
	[sflag:s31] =	ssyncadd.s32 $0xFFFF8000  }
0x24f: {  	[hbm4b:s20+s3] =	stream.linear.scatter [tilespmem:s21], [sflag:$0x6], $0x8000, $0x38;
	[tilespmem:$0x18080] =	vst v63  }
0x250: {  	_ =	swait.ge [sflag:s0], $0x8000  }
0x251: {  	[sflag:s0] =	ssyncset.done $0x0  }
0x252: {  	[sflag:s0] =	ssyncadd.s32 $0xFFFF8000  }
0x253: {  	v2 =	vld.msk [tilespmem:$0x68], $0xff;
	_ =	sdelay $0x4  }
0x254: {  	v3 =	vshll.u32 v2, $0x5  }
0x255: {  	v2 =	vand.u32 $0x7, v2;
	v3 =	vand.u32 $0xFFFFFF00, v3  }
0x256: {  	v2 =	vor.u32 v2, v3  }
0x257: {  	v2 =	vperm.xlane v2, v0;
	_ =	sdelay $0x1  }
0x258: {  	v2 =	vadd.s32 v1, v2;
	_ =	sdelay $0x4  }
0x259: {  	[tilespmem:s28], [sflag:$0x2] =	stream.indirect_vreg.gather [hbm4b:s1+s3], $0x80, v2, vm0, $0xb8;
	[tilespmem:$0x18080] =	vst v63  }
0x25a: {  	s20 =	simm.s32 $0x8880  }
0x25b: {  	[tilespmem:s20], [sflag:$0x2] =	stream.indirect_vreg.gather [hbm4b:s4+s3], $0x80, v2, vm0, $0xb8;
	[tilespmem:$0x18080] =	vst v63  }
0x25c: {  	s20 =	simm.s32 $0x9080  }
0x25d: {  	[tilespmem:s20], [sflag:$0x2] =	stream.indirect_vreg.gather [hbm4b:s5+s3], $0x80, v2, vm0, $0xb8;
	[tilespmem:$0x18080] =	vst v63  }
0x25e: {  	s20 =	simm.s32 $0x9880  }
0x25f: {  	[tilespmem:s20], [sflag:$0x2] =	stream.indirect_vreg.gather [hbm4b:s6+s3], $0x80, v2, vm0, $0xb8;
	[tilespmem:$0x18080] =	vst v63  }
0x260: {  	s20 =	simm.s32 $0xA080  }
0x261: {  	[tilespmem:s20], [sflag:$0x2] =	stream.indirect_vreg.gather [hbm4b:s7+s3], $0x80, v2, vm0, $0xb8;
	[tilespmem:$0x18080] =	vst v63  }
0x262: {  	s20 =	simm.s32 $0xA880  }
0x263: {  	[tilespmem:s20], [sflag:$0x2] =	stream.indirect_vreg.gather [hbm4b:s8+s3], $0x80, v2, vm0, $0xb8;
	[tilespmem:$0x18080] =	vst v63  }
0x264: {  	s20 =	simm.s32 $0xB080  }
0x265: {  	[tilespmem:s20], [sflag:$0x2] =	stream.indirect_vreg.gather [hbm4b:s9+s3], $0x80, v2, vm0, $0xb8;
	[tilespmem:$0x18080] =	vst v63  }
0x266: {  	s20 =	simm.s32 $0xB880  }
0x267: {  	[tilespmem:s20], [sflag:$0x2] =	stream.indirect_vreg.gather [hbm4b:s10+s3], $0x80, v2, vm0, $0xb8;
	[tilespmem:$0x18080] =	vst v63  }
0x268: {  	s20 =	simm.s32 $0xC080  }
0x269: {  	[tilespmem:s20], [sflag:$0x2] =	stream.indirect_vreg.gather [hbm4b:s11+s3], $0x80, v2, vm0, $0xb8;
	[tilespmem:$0x18080] =	vst v63  }
0x26a: {  	s20 =	simm.s32 $0xC880  }
0x26b: {  	[tilespmem:s20], [sflag:$0x2] =	stream.indirect_vreg.gather [hbm4b:s12+s3], $0x80, v2, vm0, $0xb8;
	[tilespmem:$0x18080] =	vst v63  }
0x26c: {  	s20 =	simm.s32 $0xD080  }
0x26d: {  	[tilespmem:s20], [sflag:$0x2] =	stream.indirect_vreg.gather [hbm4b:s13+s3], $0x80, v2, vm0, $0xb8;
	[tilespmem:$0x18080] =	vst v63  }
0x26e: {  	s20 =	simm.s32 $0xD880  }
0x26f: {  	[tilespmem:s20], [sflag:$0x2] =	stream.indirect_vreg.gather [hbm4b:s14+s3], $0x80, v2, vm0, $0xb8;
	[tilespmem:$0x18080] =	vst v63  }
0x270: {  	s20 =	simm.s32 $0xE080  }
0x271: {  	[tilespmem:s20], [sflag:$0x2] =	stream.indirect_vreg.gather [hbm4b:s15+s3], $0x80, v2, vm0, $0xb8;
	[tilespmem:$0x18080] =	vst v63  }
0x272: {  	s20 =	simm.s32 $0xE880  }
0x273: {  	[tilespmem:s20], [sflag:$0x2] =	stream.indirect_vreg.gather [hbm4b:s16+s3], $0x80, v2, vm0, $0xb8;
	[tilespmem:$0x18080] =	vst v63  }
0x274: {  	s20 =	simm.s32 $0xF080  }
0x275: {  	[tilespmem:s20], [sflag:$0x2] =	stream.indirect_vreg.gather [hbm4b:s17+s3], $0x80, v2, vm0, $0xb8;
	[tilespmem:$0x18080] =	vst v63  }
0x276: {  	s20 =	simm.s32 $0xF880  }
0x277: {  	[tilespmem:s20], [sflag:$0x2] =	stream.indirect_vreg.gather [hbm4b:s18+s3], $0x80, v2, vm0, $0xb8;
	[tilespmem:$0x18080] =	vst v63  }
0x278: {  	_ =	swait.ge [sflag:s26], $0x8000  }
0x279: {  	[sflag:s26] =	ssyncset.done $0x0  }
0x27a: {  	s20 =	rddreg [dreg:$0x11];
	[sflag:s26] =	ssyncadd.s32 $0xFFFF8000  }
0x27b: {  	[hbm4b:s20+s3] =	stream.linear.scatter [tilespmem:s22], [sflag:$0x4], $0x8000, $0x38;
	[tilespmem:$0x18080] =	vst v63  }
0x27c: {  	_ =	swait.ge [sflag:s2], $0x8000  }
0x27d: {  	[sflag:s2] =	ssyncset.done $0x0  }
0x27e: {  	[sflag:s2] =	ssyncadd.s32 $0xFFFF8000  }
0x27f: {  	v2 =	vld.msk [tilespmem:$0x70], $0xff;
	_ =	sdelay $0x4  }
0x280: {  	v3 =	vshll.u32 v2, $0x5  }
0x281: {  	v2 =	vand.u32 $0x7, v2;
	v3 =	vand.u32 $0xFFFFFF00, v3  }
0x282: {  	v2 =	vor.u32 v2, v3  }
0x283: {  	v2 =	vperm.xlane v2, v0;
	_ =	sdelay $0x1  }
0x284: {  	v2 =	vadd.s32 v1, v2;
	_ =	sdelay $0x4  }
0x285: {  	[tilespmem:s21], [sflag:$0x3] =	stream.indirect_vreg.gather [hbm4b:s1+s3], $0x80, v2, vm0, $0xb8;
	[tilespmem:$0x18080] =	vst v63  }
0x286: {  	s23 =	simm.s32 $0x10880  }
0x287: {  	[tilespmem:s23], [sflag:$0x3] =	stream.indirect_vreg.gather [hbm4b:s4+s3], $0x80, v2, vm0, $0xb8;
	[tilespmem:$0x18080] =	vst v63  }
0x288: {  	s24 =	simm.s32 $0x11080  }
0x289: {  	[tilespmem:s24], [sflag:$0x3] =	stream.indirect_vreg.gather [hbm4b:s5+s3], $0x80, v2, vm0, $0xb8;
	[tilespmem:$0x18080] =	vst v63  }
0x28a: {  	s25 =	simm.s32 $0x11880  }
0x28b: {  	[tilespmem:s25], [sflag:$0x3] =	stream.indirect_vreg.gather [hbm4b:s6+s3], $0x80, v2, vm0, $0xb8;
	[tilespmem:$0x18080] =	vst v63  }
0x28c: {  	s23 =	simm.s32 $0x12080  }
0x28d: {  	[tilespmem:s23], [sflag:$0x3] =	stream.indirect_vreg.gather [hbm4b:s7+s3], $0x80, v2, vm0, $0xb8;
	[tilespmem:$0x18080] =	vst v63  }
0x28e: {  	s24 =	simm.s32 $0x12880  }
0x28f: {  	[tilespmem:s24], [sflag:$0x3] =	stream.indirect_vreg.gather [hbm4b:s8+s3], $0x80, v2, vm0, $0xb8;
	[tilespmem:$0x18080] =	vst v63  }
0x290: {  	s25 =	simm.s32 $0x13080  }
0x291: {  	[tilespmem:s25], [sflag:$0x3] =	stream.indirect_vreg.gather [hbm4b:s9+s3], $0x80, v2, vm0, $0xb8;
	[tilespmem:$0x18080] =	vst v63  }
0x292: {  	s23 =	simm.s32 $0x13880  }
0x293: {  	[tilespmem:s23], [sflag:$0x3] =	stream.indirect_vreg.gather [hbm4b:s10+s3], $0x80, v2, vm0, $0xb8;
	[tilespmem:$0x18080] =	vst v63  }
0x294: {  	s24 =	simm.s32 $0x14080  }
0x295: {  	[tilespmem:s24], [sflag:$0x3] =	stream.indirect_vreg.gather [hbm4b:s11+s3], $0x80, v2, vm0, $0xb8;
	[tilespmem:$0x18080] =	vst v63  }
0x296: {  	s25 =	simm.s32 $0x14880  }
0x297: {  	[tilespmem:s25], [sflag:$0x3] =	stream.indirect_vreg.gather [hbm4b:s12+s3], $0x80, v2, vm0, $0xb8;
	[tilespmem:$0x18080] =	vst v63  }
0x298: {  	s23 =	simm.s32 $0x15080  }
0x299: {  	[tilespmem:s23], [sflag:$0x3] =	stream.indirect_vreg.gather [hbm4b:s13+s3], $0x80, v2, vm0, $0xb8;
	[tilespmem:$0x18080] =	vst v63  }
0x29a: {  	s24 =	simm.s32 $0x15880  }
0x29b: {  	[tilespmem:s24], [sflag:$0x3] =	stream.indirect_vreg.gather [hbm4b:s14+s3], $0x80, v2, vm0, $0xb8;
	[tilespmem:$0x18080] =	vst v63  }
0x29c: {  	s25 =	simm.s32 $0x16080  }
0x29d: {  	[tilespmem:s25], [sflag:$0x3] =	stream.indirect_vreg.gather [hbm4b:s15+s3], $0x80, v2, vm0, $0xb8;
	[tilespmem:$0x18080] =	vst v63  }
0x29e: {  	s23 =	simm.s32 $0x16880  }
0x29f: {  	[tilespmem:s23], [sflag:$0x3] =	stream.indirect_vreg.gather [hbm4b:s16+s3], $0x80, v2, vm0, $0xb8;
	[tilespmem:$0x18080] =	vst v63  }
0x2a0: {  	s24 =	simm.s32 $0x17080  }
0x2a1: {  	[tilespmem:s24], [sflag:$0x3] =	stream.indirect_vreg.gather [hbm4b:s17+s3], $0x80, v2, vm0, $0xb8;
	[tilespmem:$0x18080] =	vst v63  }
0x2a2: {  	s25 =	simm.s32 $0x17880  }
0x2a3: {  	[tilespmem:s25], [sflag:$0x3] =	stream.indirect_vreg.gather [hbm4b:s18+s3], $0x80, v2, vm0, $0xb8;
	[tilespmem:$0x18080] =	vst v63  }
0x2a4: {  	_ =	swait.ge [sflag:s29], $0x8000  }
0x2a5: {  	[sflag:s29] =	ssyncset.done $0x0  }
0x2a6: {  	s23 =	rddreg [dreg:$0x12];
	[sflag:s29] =	ssyncadd.s32 $0xFFFF8000  }
0x2a7: {  	[hbm4b:s23+s3] =	stream.linear.scatter [tilespmem:s28], [sflag:$0x5], $0x8000, $0x38;
	[tilespmem:$0x18080] =	vst v63  }
0x2a8: {  	_ =	swait.ge [sflag:s30], $0x8000  }
0x2a9: {  	[sflag:s30] =	ssyncset.done $0x0  }
0x2aa: {  	[sflag:s30] =	ssyncadd.s32 $0xFFFF8000  }
0x2ab: {  	v2 =	vld.msk [tilespmem:$0x78], $0xff;
	_ =	sdelay $0x4  }
0x2ac: {  	v3 =	vshll.u32 v2, $0x5  }
0x2ad: {  	v2 =	vand.u32 $0x7, v2;
	v3 =	vand.u32 $0xFFFFFF00, v3  }
0x2ae: {  	v2 =	vor.u32 v2, v3  }
0x2af: {  	v2 =	vperm.xlane v2, v0;
	_ =	sdelay $0x1  }
0x2b0: {  	v2 =	vadd.s32 v1, v2;
	_ =	sdelay $0x4  }
0x2b1: {  	[tilespmem:s22], [sflag:$0x1] =	stream.indirect_vreg.gather [hbm4b:s1+s3], $0x80, v2, vm0, $0xb8;
	[tilespmem:$0x18080] =	vst v63  }
0x2b2: {  	s24 =	simm.s32 $0x880  }
0x2b3: {  	[tilespmem:s24], [sflag:$0x1] =	stream.indirect_vreg.gather [hbm4b:s4+s3], $0x80, v2, vm0, $0xb8;
	[tilespmem:$0x18080] =	vst v63  }
0x2b4: {  	s25 =	simm.s32 $0x1080  }
0x2b5: {  	[tilespmem:s25], [sflag:$0x1] =	stream.indirect_vreg.gather [hbm4b:s5+s3], $0x80, v2, vm0, $0xb8;
	[tilespmem:$0x18080] =	vst v63  }
0x2b6: {  	s23 =	simm.s32 $0x1880  }
0x2b7: {  	[tilespmem:s23], [sflag:$0x1] =	stream.indirect_vreg.gather [hbm4b:s6+s3], $0x80, v2, vm0, $0xb8;
	[tilespmem:$0x18080] =	vst v63  }
0x2b8: {  	s24 =	simm.s32 $0x2080  }
0x2b9: {  	[tilespmem:s24], [sflag:$0x1] =	stream.indirect_vreg.gather [hbm4b:s7+s3], $0x80, v2, vm0, $0xb8;
	[tilespmem:$0x18080] =	vst v63  }
0x2ba: {  	s25 =	simm.s32 $0x2880  }
0x2bb: {  	[tilespmem:s25], [sflag:$0x1] =	stream.indirect_vreg.gather [hbm4b:s8+s3], $0x80, v2, vm0, $0xb8;
	[tilespmem:$0x18080] =	vst v63  }
0x2bc: {  	s23 =	simm.s32 $0x3080  }
0x2bd: {  	[tilespmem:s23], [sflag:$0x1] =	stream.indirect_vreg.gather [hbm4b:s9+s3], $0x80, v2, vm0, $0xb8;
	[tilespmem:$0x18080] =	vst v63  }
0x2be: {  	s24 =	simm.s32 $0x3880  }
0x2bf: {  	[tilespmem:s24], [sflag:$0x1] =	stream.indirect_vreg.gather [hbm4b:s10+s3], $0x80, v2, vm0, $0xb8;
	[tilespmem:$0x18080] =	vst v63  }
0x2c0: {  	s25 =	simm.s32 $0x4080  }
0x2c1: {  	[tilespmem:s25], [sflag:$0x1] =	stream.indirect_vreg.gather [hbm4b:s11+s3], $0x80, v2, vm0, $0xb8;
	[tilespmem:$0x18080] =	vst v63  }
0x2c2: {  	s23 =	simm.s32 $0x4880  }
0x2c3: {  	[tilespmem:s23], [sflag:$0x1] =	stream.indirect_vreg.gather [hbm4b:s12+s3], $0x80, v2, vm0, $0xb8;
	[tilespmem:$0x18080] =	vst v63  }
0x2c4: {  	s24 =	simm.s32 $0x5080  }
0x2c5: {  	[tilespmem:s24], [sflag:$0x1] =	stream.indirect_vreg.gather [hbm4b:s13+s3], $0x80, v2, vm0, $0xb8;
	[tilespmem:$0x18080] =	vst v63  }
0x2c6: {  	s25 =	simm.s32 $0x5880  }
0x2c7: {  	[tilespmem:s25], [sflag:$0x1] =	stream.indirect_vreg.gather [hbm4b:s14+s3], $0x80, v2, vm0, $0xb8;
	[tilespmem:$0x18080] =	vst v63  }
0x2c8: {  	s23 =	simm.s32 $0x6080  }
0x2c9: {  	[tilespmem:s23], [sflag:$0x1] =	stream.indirect_vreg.gather [hbm4b:s15+s3], $0x80, v2, vm0, $0xb8;
	[tilespmem:$0x18080] =	vst v63  }
0x2ca: {  	s24 =	simm.s32 $0x6880  }
0x2cb: {  	[tilespmem:s24], [sflag:$0x1] =	stream.indirect_vreg.gather [hbm4b:s16+s3], $0x80, v2, vm0, $0xb8;
	[tilespmem:$0x18080] =	vst v63  }
0x2cc: {  	s25 =	simm.s32 $0x7080  }
0x2cd: {  	[tilespmem:s25], [sflag:$0x1] =	stream.indirect_vreg.gather [hbm4b:s17+s3], $0x80, v2, vm0, $0xb8;
	[tilespmem:$0x18080] =	vst v63  }
0x2ce: {  	s23 =	simm.s32 $0x7880  }
0x2cf: {  	[tilespmem:s23], [sflag:$0x1] =	stream.indirect_vreg.gather [hbm4b:s18+s3], $0x80, v2, vm0, $0xb8;
	[tilespmem:$0x18080] =	vst v63  }
0x2d0: {  	_ =	swait.ge [sflag:s31], $0x8000  }
0x2d1: {  	[sflag:s31] =	ssyncset.done $0x0  }
0x2d2: {  	s24 =	rddreg [dreg:$0x13];
	[sflag:s31] =	ssyncadd.s32 $0xFFFF8000  }
0x2d3: {  	[hbm4b:s24+s3] =	stream.linear.scatter [tilespmem:s21], [sflag:$0x6], $0x8000, $0x38;
	[tilespmem:$0x18080] =	vst v63  }
0x2d4: {  	_ =	swait.ge [sflag:s26], $0x8000  }
0x2d5: {  	[sflag:s26] =	ssyncset.done $0x0  }
0x2d6: {  	s25 =	rddreg [dreg:$0x14];
	[sflag:s26] =	ssyncadd.s32 $0xFFFF8000  }
0x2d7: {  	[hbm4b:s25+s3] =	stream.linear.scatter [tilespmem:s22], [sflag:$0x4], $0x8000, $0x38;
	[tilespmem:$0x18080] =	vst v63  }
0x2d8: {  	_ =	swait.ge [sflag:s0], $0x8000  }
0x2d9: {  	[sflag:s0] =	ssyncset.done $0x0  }
0x2da: {  	[sflag:s0] =	ssyncadd.s32 $0xFFFF8000  }
0x2db: {  	p0 =	sne.s32 s19, $0x1;
	_ =	swait.ge [sflag:s2], $0x8000  }
.Ltmp0:
0x2dc: {  	[sflag:s2] =	ssyncset.done $0x0;
	(pc) =	sbr.rel @p0 .LBB2_1-.Ltmp0, $4  }
0x2dd: {  	[sflag:s2] =	ssyncadd.s32 $0xFFFF8000  }
0x2de: {  	_ =	swait.ge [sflag:s30], $0x8000  }
0x2df: {  	[sflag:s30] =	ssyncset.done $0x0  }
0x2e0: {  	s19 =	sadd.s32 $0xFFFFFFFF, s19;
	[sflag:s30] =	ssyncadd.s32 $0xFFFF8000  }
0x2e1: {  	_ =	sfence.sel $0x180000  }
0x2e2: {  	[bflag:$0x0] =	sbarrier.arrive $0xFFFF  }
0x2e3: {  	_ =	strace $0x90000047  }
0x2e4: {  	s0 =	stileid.u32;
	[bflag:$0x2] =	sbarrier.arrive $0xFFFF  }
0x2e5: {  	p0 =	sne.s32 s0, $0x0;
	s0 =	rddreg [dreg:$0x3]  }
0x2e6: {  	s0 =	sadd.s32 @!p0 $0x100000, s0  }
0x2e7: {  	[sflag:s0] =	ssyncadd.tile.s32 @!p0 $0x1;
	_ =	shalt  }
.Lfunc_end2:
_tile_overlayer_lowered:
.L_overlay_start_2:
0x2e8: {  	(tag) =	ssettag $0x2  }
0x2e9: {  	s0 =	rddreg [dreg:$0x0];
	s2 =	stileid.u32  }
0x2ea: {  	s1 =	rddreg [dreg:$0x1];
	p0 =	sne.s32 s2, $0x0  }
0x2eb: {  	s3 =	rddreg [dreg:$0x2];
	[bflag:$0x3] =	sbarrier.arrive $0xFFFF;
	s2 =	simm.s32 @!p0 $0x1C07  }
0x2ec: {  	[timem:s3], [sflag:s2] =	dma.local @!p0 [hbm:s0], s1  }
0x2ed: {  	s0 =	simm.s32 @!p0 $0x7  }
0x2ee: {  	_ =	swait.ge @!p0 [sflag:s0], s1  }
0x2ef: {  	s1 =	ssub.s32 @!p0 $0x0, s1;
	[sflag:s0] =	ssyncset.done @!p0 $0x0  }
0x2f0: {  	[sflag:s0] =	ssyncadd.s32 @!p0 s1  }
0x2f1: {  	[bflag:$0x3] =	sbarrier.arrive $0xFFFF  }
0x2f2: {  	_ =	shalt  }

</sc_bundles>
